<compile_context>
chip_gen: v7x
topology: tpu7x:2x2x1
jax: 0.10.2.dev20260603
libtpu: 0.0.44.dev20260713+nightly
codegen_flags: <defaults>
</compile_context>

<pallas_src>
import jax
import jax.numpy as jnp
from jax import lax
from jax.experimental import pallas as pl
from jax.experimental.pallas import tpu as pltpu
from jax.experimental.pallas import tpu_sc as plsc

N_ROWS = 1_000_000
D_COLS = 64
Q = 16384
D_SEL = 32

NUM_CORES = 2
NUM_SUBCORES = 16
NW = NUM_CORES * NUM_SUBCORES
BPW = Q // NW
LANES = 16
OUT_W = 4 * D_SEL


def _query_body(table_hbm, rows_hbm, cols_hbm, out_hbm,
                idx_v, cols_v, rows_v, out_v, sem):
    wid = lax.axis_index("s") * NUM_CORES + lax.axis_index("c")
    base = wid * BPW

    pltpu.sync_copy(rows_hbm.at[pl.ds(base, BPW)], idx_v)
    pltpu.sync_copy(cols_hbm, cols_v)

    def fire(g, carry):
        v = idx_v[pl.ds(g * LANES, LANES)]
        for k in range(LANES):
            pltpu.async_copy(table_hbm.at[pl.ds(v[k], 1)],
                             rows_v.at[pl.ds(g * LANES + k, 1)],
                             sem)
        return carry

    lax.fori_loop(0, BPW // LANES, fire, 0)

    pltpu.make_async_copy(table_hbm.at[pl.ds(0, BPW)], rows_v, sem).wait()

    c_lo = cols_v[pl.ds(0, LANES)]
    c_hi = cols_v[pl.ds(LANES, LANES)]

    def body(r, carry):
        ridx = jnp.full((LANES,), r, dtype=jnp.int32)
        po = (r % 4) * D_SEL
        out_v[r // 4, pl.ds(po, LANES)] = plsc.load_gather(
            rows_v, [ridx, c_lo])
        out_v[r // 4, pl.ds(po + LANES, LANES)] = plsc.load_gather(
            rows_v, [ridx, c_hi])
        return carry

    lax.fori_loop(0, BPW, body, 0, unroll=4)

    out_base = pl.multiple_of(base // 4, OUT_W)
    pltpu.sync_copy(out_v, out_hbm.at[pl.ds(out_base, BPW // 4)])


@jax.jit
def kernel(table, rows, cols):
    mesh = plsc.VectorSubcoreMesh(
        core_axis_name="c", subcore_axis_name="s",
        num_cores=NUM_CORES, num_subcores=NUM_SUBCORES)
    run = pl.kernel(
        _query_body,
        out_type=jax.ShapeDtypeStruct((Q * D_SEL // OUT_W, OUT_W),
                                      jnp.float32),
        mesh=mesh,
        scratch_types=[
            pltpu.VMEM((BPW,), jnp.int32),
            pltpu.VMEM((D_SEL,), jnp.int32),
            pltpu.VMEM((BPW, D_COLS), jnp.float32),
            pltpu.VMEM((BPW // 4, OUT_W), jnp.float32),
            pltpu.SemaphoreType.DMA,
        ],
        compiler_params=pltpu.CompilerParams(
            needs_layout_passes=False, use_tc_tiling_on_sc=True),
    )
    out = run(table, rows.astype(jnp.int32), cols.astype(jnp.int32))
    return out.reshape(Q, D_SEL)

# --- scband reference (transcript-rebuilt; emitter-appended) ---
"""Pipeline reference for scband-query-module-34359739058 (READ-ONLY COPY).

The authoritative reference and input builder live on the scoring server;
editing this copy changes nothing except your own understanding.
"""

import jax, jax.numpy as jnp
import numpy as np

N_ROWS = 1000000
D_COLS = 64
Q = 16384
D_SEL = 32

def setup_inputs(seed: int = 0) -> dict:
    key = jax.random.key(seed)
    k1, k2, k3 = jax.random.split(key, 3)
    table = jax.random.normal(k1, (N_ROWS, D_COLS), dtype=jnp.float32)
    rows = jax.random.randint(k2, (Q,), 0, N_ROWS)
    cols = jax.random.randint(k3, (D_SEL,), 0, D_COLS)
    return {"table": table, "rows": rows, "cols": cols}

def reference(table, rows, cols):
    # QueryModule.select_rows: torch.index_select(table, 0, rows)
    selected_rows = jnp.take(table, rows, axis=0)
    # QueryModule.select_column: torch.index_select(selected, 1, cols)
    selected = jnp.take(selected_rows, cols, axis=1)
    return selected

if __name__ == "__main__":
    import jax
    _d = setup_inputs()
    print(jax.jit(kernel)(*tuple(_d.values())))

</pallas_src>

<mosaic_0001>
#map = affine_map<(d0, d1) -> (0, 0)>
#map1 = affine_map<(d0, d1) -> (0)>
module attributes {stable_mosaic.version = 14 : i64} {
  func.func @_query_body(%arg0: i32, %arg1: i32, %arg2: memref<1000000x64xf32, #tpu.memory_space<hbm>>, %arg3: memref<16384xi32, #tpu.memory_space<hbm>>, %arg4: memref<32xi32, #tpu.memory_space<hbm>>, %arg5: memref<4096x128xf32, #tpu.memory_space<hbm>>, %arg6: memref<512xi32, #tpu.memory_space<vmem>>, %arg7: memref<32xi32, #tpu.memory_space<vmem>>, %arg8: memref<512x64xf32, #tpu.memory_space<vmem>>, %arg9: memref<128x128xf32, #tpu.memory_space<vmem>>, %arg10: memref<!tpu.dma_semaphore, #tpu.memory_space<semaphore_mem>>) attributes {dimension_semantics = [#tpu.dimension_semantics<core_parallel>, #tpu.dimension_semantics<subcore_parallel>], iteration_bounds = array<i64: 2, 16>, scalar_prefetch = 0 : i64, scratch_operands = 5 : i64, tpu.core_type = #tpu.core_type<sc_vector_subcore>, window_params = [{transform_indices = #map}, {transform_indices = #map1}, {transform_indices = #map1}, {transform_indices = #map}]} {
    %mul3A = arith.constant 2 : i32
    %mul3A_0 = arith.muli %arg1, %mul3A : i32
    %add3A = arith.addi %mul3A_0, %arg0 : i32
    %mul3A_1 = arith.constant 512 : i32
    %mul3A_2 = arith.muli %add3A, %mul3A_1 : i32
    "tpu.region"() ({
      %run_scoped3A = tpu.sem_alloc : memref<!tpu.dma_semaphore, #tpu.memory_space<semaphore_mem>>
      %dma_start3A = tpu.memref_slice %arg3[%mul3A_2] : memref<16384xi32, #tpu.memory_space<hbm>> -> memref<512xi32, #tpu.memory_space<hbm>>
      %dma_start3A_38 = tpu.memref_slice %arg3[%mul3A_2] : memref<16384xi32, #tpu.memory_space<hbm>> -> memref<512xi32, #tpu.memory_space<hbm>>
      tpu.enqueue_dma source(%dma_start3A_38 : memref<512xi32, #tpu.memory_space<hbm>>) target(%arg6 : memref<512xi32, #tpu.memory_space<vmem>>) target_semaphore(%run_scoped3A : memref<!tpu.dma_semaphore, #tpu.memory_space<semaphore_mem>>)
      %dma_wait3A_39 = tpu.memref_slice %arg3[%mul3A_2] : memref<16384xi32, #tpu.memory_space<hbm>> -> memref<512xi32, #tpu.memory_space<hbm>>
      %dma_wait3A_40 = tpu.memref_slice %arg3[%mul3A_2] : memref<16384xi32, #tpu.memory_space<hbm>> -> memref<512xi32, #tpu.memory_space<hbm>>
      tpu.wait_dma2 semaphore(%run_scoped3A : memref<!tpu.dma_semaphore, #tpu.memory_space<semaphore_mem>>) src(%dma_wait3A_40 : memref<512xi32, #tpu.memory_space<hbm>>) dst(%arg6 : memref<512xi32, #tpu.memory_space<vmem>>)
      tpu.yield
    }) : () -> ()
    "tpu.region"() ({
      %run_scoped3A = tpu.sem_alloc : memref<!tpu.dma_semaphore, #tpu.memory_space<semaphore_mem>>
      tpu.enqueue_dma source(%arg4 : memref<32xi32, #tpu.memory_space<hbm>>) target(%arg7 : memref<32xi32, #tpu.memory_space<vmem>>) target_semaphore(%run_scoped3A : memref<!tpu.dma_semaphore, #tpu.memory_space<semaphore_mem>>)
      tpu.wait_dma2 semaphore(%run_scoped3A : memref<!tpu.dma_semaphore, #tpu.memory_space<semaphore_mem>>) src(%arg4 : memref<32xi32, #tpu.memory_space<hbm>>) dst(%arg7 : memref<32xi32, #tpu.memory_space<vmem>>)
      tpu.yield
    }) : () -> ()
    %scan3A = arith.constant 0 : i32
    %scan3A_3 = arith.constant 0 : i32
    %scan3A_4 = arith.constant 32 : i32
    %scan3A_5 = arith.addi %scan3A_3, %scan3A_4 : i32
    %scan3A_6 = arith.constant 1 : i32
    scf.for %scan3A_38 = %scan3A_3 to %scan3A_5 step %scan3A_6  : i32 {
      %mul3A_39 = arith.constant 16 : i32
      %mul3A_40 = arith.muli %scan3A_38, %mul3A_39 : i32
      %get3A_41 = arith.index_cast %mul3A_40 : i32 to index
      %get3A_42 = tpu.vector_load %arg6[%get3A_41] {strides = array<i32>} : memref<512xi32, #tpu.memory_space<vmem>>, vector<16xi32>,
      %slice3A = vector.extract_strided_slice %get3A_42 {offsets = [0], sizes = [1], strides = [1]} : vector<16xi32> to vector<1xi32>
      %squeeze3A = vector.extract %slice3A[0] : i32 from vector<1xi32>
      %mul3A_43 = arith.constant 16 : i32
      %mul3A_44 = arith.muli %scan3A_38, %mul3A_43 : i32
      %add3A_45 = arith.constant 0 : i32
      %add3A_46 = arith.addi %mul3A_44, %add3A_45 : i32
      %dma_start3A = arith.constant 0 : i32
      %dma_start3A_47 = tpu.memref_slice %arg8[%add3A_46, %dma_start3A] : memref<512x64xf32, #tpu.memory_space<vmem>> -> memref<1x64xf32, #tpu.memory_space<vmem>>
      %dma_start3A_48 = arith.constant 0 : i32
      %dma_start3A_49 = tpu.memref_slice %arg2[%squeeze3A, %dma_start3A_48] : memref<1000000x64xf32, #tpu.memory_space<hbm>> -> memref<1x64xf32, #tpu.memory_space<hbm>>
      %dma_start3A_50 = arith.constant 0 : i32
      %dma_start3A_51 = tpu.memref_slice %arg8[%add3A_46, %dma_start3A_50] : memref<512x64xf32, #tpu.memory_space<vmem>> -> memref<1x64xf32, #tpu.memory_space<vmem>>
      %dma_start3A_52 = arith.constant 0 : i32
      %dma_start3A_53 = tpu.memref_slice %arg2[%squeeze3A, %dma_start3A_52] : memref<1000000x64xf32, #tpu.memory_space<hbm>> -> memref<1x64xf32, #tpu.memory_space<hbm>>
      tpu.enqueue_dma source(%dma_start3A_53 : memref<1x64xf32, #tpu.memory_space<hbm>>) target(%dma_start3A_51 : memref<1x64xf32, #tpu.memory_space<vmem>>) target_semaphore(%arg10 : memref<!tpu.dma_semaphore, #tpu.memory_space<semaphore_mem>>)
      %slice3A_54 = vector.extract_strided_slice %get3A_42 {offsets = [1], sizes = [1], strides = [1]} : vector<16xi32> to vector<1xi32>
      %squeeze3A_55 = vector.extract %slice3A_54[0] : i32 from vector<1xi32>
      %mul3A_56 = arith.constant 16 : i32
      %mul3A_57 = arith.muli %scan3A_38, %mul3A_56 : i32
      %add3A_58 = arith.constant 1 : i32
      %add3A_59 = arith.addi %mul3A_57, %add3A_58 : i32
      %dma_start3A_60 = arith.constant 0 : i32
      %dma_start3A_61 = tpu.memref_slice %arg8[%add3A_59, %dma_start3A_60] : memref<512x64xf32, #tpu.memory_space<vmem>> -> memref<1x64xf32, #tpu.memory_space<vmem>>
      %dma_start3A_62 = arith.constant 0 : i32
      %dma_start3A_63 = tpu.memref_slice %arg2[%squeeze3A_55, %dma_start3A_62] : memref<1000000x64xf32, #tpu.memory_space<hbm>> -> memref<1x64xf32, #tpu.memory_space<hbm>>
      %dma_start3A_64 = arith.constant 0 : i32
      %dma_start3A_65 = tpu.memref_slice %arg8[%add3A_59, %dma_start3A_64] : memref<512x64xf32, #tpu.memory_space<vmem>> -> memref<1x64xf32, #tpu.memory_space<vmem>>
      %dma_start3A_66 = arith.constant 0 : i32
      %dma_start3A_67 = tpu.memref_slice %arg2[%squeeze3A_55, %dma_start3A_66] : memref<1000000x64xf32, #tpu.memory_space<hbm>> -> memref<1x64xf32, #tpu.memory_space<hbm>>
      tpu.enqueue_dma source(%dma_start3A_67 : memref<1x64xf32, #tpu.memory_space<hbm>>) target(%dma_start3A_65 : memref<1x64xf32, #tpu.memory_space<vmem>>) target_semaphore(%arg10 : memref<!tpu.dma_semaphore, #tpu.memory_space<semaphore_mem>>)
      %slice3A_68 = vector.extract_strided_slice %get3A_42 {offsets = [2], sizes = [1], strides = [1]} : vector<16xi32> to vector<1xi32>
      %squeeze3A_69 = vector.extract %slice3A_68[0] : i32 from vector<1xi32>
      %mul3A_70 = arith.constant 16 : i32
      %mul3A_71 = arith.muli %scan3A_38, %mul3A_70 : i32
      %add3A_72 = arith.constant 2 : i32
      %add3A_73 = arith.addi %mul3A_71, %add3A_72 : i32
      %dma_start3A_74 = arith.constant 0 : i32
      %dma_start3A_75 = tpu.memref_slice %arg8[%add3A_73, %dma_start3A_74] : memref<512x64xf32, #tpu.memory_space<vmem>> -> memref<1x64xf32, #tpu.memory_space<vmem>>
      %dma_start3A_76 = arith.constant 0 : i32
      %dma_start3A_77 = tpu.memref_slice %arg2[%squeeze3A_69, %dma_start3A_76] : memref<1000000x64xf32, #tpu.memory_space<hbm>> -> memref<1x64xf32, #tpu.memory_space<hbm>>
      %dma_start3A_78 = arith.constant 0 : i32
      %dma_start3A_79 = tpu.memref_slice %arg8[%add3A_73, %dma_start3A_78] : memref<512x64xf32, #tpu.memory_space<vmem>> -> memref<1x64xf32, #tpu.memory_space<vmem>>
      %dma_start3A_80 = arith.constant 0 : i32
      %dma_start3A_81 = tpu.memref_slice %arg2[%squeeze3A_69, %dma_start3A_80] : memref<1000000x64xf32, #tpu.memory_space<hbm>> -> memref<1x64xf32, #tpu.memory_space<hbm>>
      tpu.enqueue_dma source(%dma_start3A_81 : memref<1x64xf32, #tpu.memory_space<hbm>>) target(%dma_start3A_79 : memref<1x64xf32, #tpu.memory_space<vmem>>) target_semaphore(%arg10 : memref<!tpu.dma_semaphore, #tpu.memory_space<semaphore_mem>>)
      %slice3A_82 = vector.extract_strided_slice %get3A_42 {offsets = [3], sizes = [1], strides = [1]} : vector<16xi32> to vector<1xi32>
      %squeeze3A_83 = vector.extract %slice3A_82[0] : i32 from vector<1xi32>
      %mul3A_84 = arith.constant 16 : i32
      %mul3A_85 = arith.muli %scan3A_38, %mul3A_84 : i32
      %add3A_86 = arith.constant 3 : i32
      %add3A_87 = arith.addi %mul3A_85, %add3A_86 : i32
      %dma_start3A_88 = arith.constant 0 : i32
      %dma_start3A_89 = tpu.memref_slice %arg8[%add3A_87, %dma_start3A_88] : memref<512x64xf32, #tpu.memory_space<vmem>> -> memref<1x64xf32, #tpu.memory_space<vmem>>
      %dma_start3A_90 = arith.constant 0 : i32
      %dma_start3A_91 = tpu.memref_slice %arg2[%squeeze3A_83, %dma_start3A_90] : memref<1000000x64xf32, #tpu.memory_space<hbm>> -> memref<1x64xf32, #tpu.memory_space<hbm>>
      %dma_start3A_92 = arith.constant 0 : i32
      %dma_start3A_93 = tpu.memref_slice %arg8[%add3A_87, %dma_start3A_92] : memref<512x64xf32, #tpu.memory_space<vmem>> -> memref<1x64xf32, #tpu.memory_space<vmem>>
      %dma_start3A_94 = arith.constant 0 : i32
      %dma_start3A_95 = tpu.memref_slice %arg2[%squeeze3A_83, %dma_start3A_94] : memref<1000000x64xf32, #tpu.memory_space<hbm>> -> memref<1x64xf32, #tpu.memory_space<hbm>>
      tpu.enqueue_dma source(%dma_start3A_95 : memref<1x64xf32, #tpu.memory_space<hbm>>) target(%dma_start3A_93 : memref<1x64xf32, #tpu.memory_space<vmem>>) target_semaphore(%arg10 : memref<!tpu.dma_semaphore, #tpu.memory_space<semaphore_mem>>)
      %slice3A_96 = vector.extract_strided_slice %get3A_42 {offsets = [4], sizes = [1], strides = [1]} : vector<16xi32> to vector<1xi32>
      %squeeze3A_97 = vector.extract %slice3A_96[0] : i32 from vector<1xi32>
      %mul3A_98 = arith.constant 16 : i32
      %mul3A_99 = arith.muli %scan3A_38, %mul3A_98 : i32
      %add3A_100 = arith.constant 4 : i32
      %add3A_101 = arith.addi %mul3A_99, %add3A_100 : i32
      %dma_start3A_102 = arith.constant 0 : i32
      %dma_start3A_103 = tpu.memref_slice %arg8[%add3A_101, %dma_start3A_102] : memref<512x64xf32, #tpu.memory_space<vmem>> -> memref<1x64xf32, #tpu.memory_space<vmem>>
      %dma_start3A_104 = arith.constant 0 : i32
      %dma_start3A_105 = tpu.memref_slice %arg2[%squeeze3A_97, %dma_start3A_104] : memref<1000000x64xf32, #tpu.memory_space<hbm>> -> memref<1x64xf32, #tpu.memory_space<hbm>>
      %dma_start3A_106 = arith.constant 0 : i32
      %dma_start3A_107 = tpu.memref_slice %arg8[%add3A_101, %dma_start3A_106] : memref<512x64xf32, #tpu.memory_space<vmem>> -> memref<1x64xf32, #tpu.memory_space<vmem>>
      %dma_start3A_108 = arith.constant 0 : i32
      %dma_start3A_109 = tpu.memref_slice %arg2[%squeeze3A_97, %dma_start3A_108] : memref<1000000x64xf32, #tpu.memory_space<hbm>> -> memref<1x64xf32, #tpu.memory_space<hbm>>
      tpu.enqueue_dma source(%dma_start3A_109 : memref<1x64xf32, #tpu.memory_space<hbm>>) target(%dma_start3A_107 : memref<1x64xf32, #tpu.memory_space<vmem>>) target_semaphore(%arg10 : memref<!tpu.dma_semaphore, #tpu.memory_space<semaphore_mem>>)
      %slice3A_110 = vector.extract_strided_slice %get3A_42 {offsets = [5], sizes = [1], strides = [1]} : vector<16xi32> to vector<1xi32>
      %squeeze3A_111 = vector.extract %slice3A_110[0] : i32 from vector<1xi32>
      %mul3A_112 = arith.constant 16 : i32
      %mul3A_113 = arith.muli %scan3A_38, %mul3A_112 : i32
      %add3A_114 = arith.constant 5 : i32
      %add3A_115 = arith.addi %mul3A_113, %add3A_114 : i32
      %dma_start3A_116 = arith.constant 0 : i32
      %dma_start3A_117 = tpu.memref_slice %arg8[%add3A_115, %dma_start3A_116] : memref<512x64xf32, #tpu.memory_space<vmem>> -> memref<1x64xf32, #tpu.memory_space<vmem>>
      %dma_start3A_118 = arith.constant 0 : i32
      %dma_start3A_119 = tpu.memref_slice %arg2[%squeeze3A_111, %dma_start3A_118] : memref<1000000x64xf32, #tpu.memory_space<hbm>> -> memref<1x64xf32, #tpu.memory_space<hbm>>
      %dma_start3A_120 = arith.constant 0 : i32
      %dma_start3A_121 = tpu.memref_slice %arg8[%add3A_115, %dma_start3A_120] : memref<512x64xf32, #tpu.memory_space<vmem>> -> memref<1x64xf32, #tpu.memory_space<vmem>>
      %dma_start3A_122 = arith.constant 0 : i32
      %dma_start3A_123 = tpu.memref_slice %arg2[%squeeze3A_111, %dma_start3A_122] : memref<1000000x64xf32, #tpu.memory_space<hbm>> -> memref<1x64xf32, #tpu.memory_space<hbm>>
      tpu.enqueue_dma source(%dma_start3A_123 : memref<1x64xf32, #tpu.memory_space<hbm>>) target(%dma_start3A_121 : memref<1x64xf32, #tpu.memory_space<vmem>>) target_semaphore(%arg10 : memref<!tpu.dma_semaphore, #tpu.memory_space<semaphore_mem>>)
      %slice3A_124 = vector.extract_strided_slice %get3A_42 {offsets = [6], sizes = [1], strides = [1]} : vector<16xi32> to vector<1xi32>
      %squeeze3A_125 = vector.extract %slice3A_124[0] : i32 from vector<1xi32>
      %mul3A_126 = arith.constant 16 : i32
      %mul3A_127 = arith.muli %scan3A_38, %mul3A_126 : i32
      %add3A_128 = arith.constant 6 : i32
      %add3A_129 = arith.addi %mul3A_127, %add3A_128 : i32
      %dma_start3A_130 = arith.constant 0 : i32
      %dma_start3A_131 = tpu.memref_slice %arg8[%add3A_129, %dma_start3A_130] : memref<512x64xf32, #tpu.memory_space<vmem>> -> memref<1x64xf32, #tpu.memory_space<vmem>>
      %dma_start3A_132 = arith.constant 0 : i32
      %dma_start3A_133 = tpu.memref_slice %arg2[%squeeze3A_125, %dma_start3A_132] : memref<1000000x64xf32, #tpu.memory_space<hbm>> -> memref<1x64xf32, #tpu.memory_space<hbm>>
      %dma_start3A_134 = arith.constant 0 : i32
      %dma_start3A_135 = tpu.memref_slice %arg8[%add3A_129, %dma_start3A_134] : memref<512x64xf32, #tpu.memory_space<vmem>> -> memref<1x64xf32, #tpu.memory_space<vmem>>
      %dma_start3A_136 = arith.constant 0 : i32
      %dma_start3A_137 = tpu.memref_slice %arg2[%squeeze3A_125, %dma_start3A_136] : memref<1000000x64xf32, #tpu.memory_space<hbm>> -> memref<1x64xf32, #tpu.memory_space<hbm>>
      tpu.enqueue_dma source(%dma_start3A_137 : memref<1x64xf32, #tpu.memory_space<hbm>>) target(%dma_start3A_135 : memref<1x64xf32, #tpu.memory_space<vmem>>) target_semaphore(%arg10 : memref<!tpu.dma_semaphore, #tpu.memory_space<semaphore_mem>>)
      %slice3A_138 = vector.extract_strided_slice %get3A_42 {offsets = [7], sizes = [1], strides = [1]} : vector<16xi32> to vector<1xi32>
      %squeeze3A_139 = vector.extract %slice3A_138[0] : i32 from vector<1xi32>
      %mul3A_140 = arith.constant 16 : i32
      %mul3A_141 = arith.muli %scan3A_38, %mul3A_140 : i32
      %add3A_142 = arith.constant 7 : i32
      %add3A_143 = arith.addi %mul3A_141, %add3A_142 : i32
      %dma_start3A_144 = arith.constant 0 : i32
      %dma_start3A_145 = tpu.memref_slice %arg8[%add3A_143, %dma_start3A_144] : memref<512x64xf32, #tpu.memory_space<vmem>> -> memref<1x64xf32, #tpu.memory_space<vmem>>
      %dma_start3A_146 = arith.constant 0 : i32
      %dma_start3A_147 = tpu.memref_slice %arg2[%squeeze3A_139, %dma_start3A_146] : memref<1000000x64xf32, #tpu.memory_space<hbm>> -> memref<1x64xf32, #tpu.memory_space<hbm>>
      %dma_start3A_148 = arith.constant 0 : i32
      %dma_start3A_149 = tpu.memref_slice %arg8[%add3A_143, %dma_start3A_148] : memref<512x64xf32, #tpu.memory_space<vmem>> -> memref<1x64xf32, #tpu.memory_space<vmem>>
      %dma_start3A_150 = arith.constant 0 : i32
      %dma_start3A_151 = tpu.memref_slice %arg2[%squeeze3A_139, %dma_start3A_150] : memref<1000000x64xf32, #tpu.memory_space<hbm>> -> memref<1x64xf32, #tpu.memory_space<hbm>>
      tpu.enqueue_dma source(%dma_start3A_151 : memref<1x64xf32, #tpu.memory_space<hbm>>) target(%dma_start3A_149 : memref<1x64xf32, #tpu.memory_space<vmem>>) target_semaphore(%arg10 : memref<!tpu.dma_semaphore, #tpu.memory_space<semaphore_mem>>)
      %slice3A_152 = vector.extract_strided_slice %get3A_42 {offsets = [8], sizes = [1], strides = [1]} : vector<16xi32> to vector<1xi32>
      %squeeze3A_153 = vector.extract %slice3A_152[0] : i32 from vector<1xi32>
      %mul3A_154 = arith.constant 16 : i32
      %mul3A_155 = arith.muli %scan3A_38, %mul3A_154 : i32
      %add3A_156 = arith.constant 8 : i32
      %add3A_157 = arith.addi %mul3A_155, %add3A_156 : i32
      %dma_start3A_158 = arith.constant 0 : i32
      %dma_start3A_159 = tpu.memref_slice %arg8[%add3A_157, %dma_start3A_158] : memref<512x64xf32, #tpu.memory_space<vmem>> -> memref<1x64xf32, #tpu.memory_space<vmem>>
      %dma_start3A_160 = arith.constant 0 : i32
      %dma_start3A_161 = tpu.memref_slice %arg2[%squeeze3A_153, %dma_start3A_160] : memref<1000000x64xf32, #tpu.memory_space<hbm>> -> memref<1x64xf32, #tpu.memory_space<hbm>>
      %dma_start3A_162 = arith.constant 0 : i32
      %dma_start3A_163 = tpu.memref_slice %arg8[%add3A_157, %dma_start3A_162] : memref<512x64xf32, #tpu.memory_space<vmem>> -> memref<1x64xf32, #tpu.memory_space<vmem>>
      %dma_start3A_164 = arith.constant 0 : i32
      %dma_start3A_165 = tpu.memref_slice %arg2[%squeeze3A_153, %dma_start3A_164] : memref<1000000x64xf32, #tpu.memory_space<hbm>> -> memref<1x64xf32, #tpu.memory_space<hbm>>
      tpu.enqueue_dma source(%dma_start3A_165 : memref<1x64xf32, #tpu.memory_space<hbm>>) target(%dma_start3A_163 : memref<1x64xf32, #tpu.memory_space<vmem>>) target_semaphore(%arg10 : memref<!tpu.dma_semaphore, #tpu.memory_space<semaphore_mem>>)
      %slice3A_166 = vector.extract_strided_slice %get3A_42 {offsets = [9], sizes = [1], strides = [1]} : vector<16xi32> to vector<1xi32>
      %squeeze3A_167 = vector.extract %slice3A_166[0] : i32 from vector<1xi32>
      %mul3A_168 = arith.constant 16 : i32
      %mul3A_169 = arith.muli %scan3A_38, %mul3A_168 : i32
      %add3A_170 = arith.constant 9 : i32
      %add3A_171 = arith.addi %mul3A_169, %add3A_170 : i32
      %dma_start3A_172 = arith.constant 0 : i32
      %dma_start3A_173 = tpu.memref_slice %arg8[%add3A_171, %dma_start3A_172] : memref<512x64xf32, #tpu.memory_space<vmem>> -> memref<1x64xf32, #tpu.memory_space<vmem>>
      %dma_start3A_174 = arith.constant 0 : i32
      %dma_start3A_175 = tpu.memref_slice %arg2[%squeeze3A_167, %dma_start3A_174] : memref<1000000x64xf32, #tpu.memory_space<hbm>> -> memref<1x64xf32, #tpu.memory_space<hbm>>
      %dma_start3A_176 = arith.constant 0 : i32
      %dma_start3A_177 = tpu.memref_slice %arg8[%add3A_171, %dma_start3A_176] : memref<512x64xf32, #tpu.memory_space<vmem>> -> memref<1x64xf32, #tpu.memory_space<vmem>>
      %dma_start3A_178 = arith.constant 0 : i32
      %dma_start3A_179 = tpu.memref_slice %arg2[%squeeze3A_167, %dma_start3A_178] : memref<1000000x64xf32, #tpu.memory_space<hbm>> -> memref<1x64xf32, #tpu.memory_space<hbm>>
      tpu.enqueue_dma source(%dma_start3A_179 : memref<1x64xf32, #tpu.memory_space<hbm>>) target(%dma_start3A_177 : memref<1x64xf32, #tpu.memory_space<vmem>>) target_semaphore(%arg10 : memref<!tpu.dma_semaphore, #tpu.memory_space<semaphore_mem>>)
      %slice3A_180 = vector.extract_strided_slice %get3A_42 {offsets = [10], sizes = [1], strides = [1]} : vector<16xi32> to vector<1xi32>
      %squeeze3A_181 = vector.extract %slice3A_180[0] : i32 from vector<1xi32>
      %mul3A_182 = arith.constant 16 : i32
      %mul3A_183 = arith.muli %scan3A_38, %mul3A_182 : i32
      %add3A_184 = arith.constant 10 : i32
      %add3A_185 = arith.addi %mul3A_183, %add3A_184 : i32
      %dma_start3A_186 = arith.constant 0 : i32
      %dma_start3A_187 = tpu.memref_slice %arg8[%add3A_185, %dma_start3A_186] : memref<512x64xf32, #tpu.memory_space<vmem>> -> memref<1x64xf32, #tpu.memory_space<vmem>>
      %dma_start3A_188 = arith.constant 0 : i32
      %dma_start3A_189 = tpu.memref_slice %arg2[%squeeze3A_181, %dma_start3A_188] : memref<1000000x64xf32, #tpu.memory_space<hbm>> -> memref<1x64xf32, #tpu.memory_space<hbm>>
      %dma_start3A_190 = arith.constant 0 : i32
      %dma_start3A_191 = tpu.memref_slice %arg8[%add3A_185, %dma_start3A_190] : memref<512x64xf32, #tpu.memory_space<vmem>> -> memref<1x64xf32, #tpu.memory_space<vmem>>
      %dma_start3A_192 = arith.constant 0 : i32
      %dma_start3A_193 = tpu.memref_slice %arg2[%squeeze3A_181, %dma_start3A_192] : memref<1000000x64xf32, #tpu.memory_space<hbm>> -> memref<1x64xf32, #tpu.memory_space<hbm>>
      tpu.enqueue_dma source(%dma_start3A_193 : memref<1x64xf32, #tpu.memory_space<hbm>>) target(%dma_start3A_191 : memref<1x64xf32, #tpu.memory_space<vmem>>) target_semaphore(%arg10 : memref<!tpu.dma_semaphore, #tpu.memory_space<semaphore_mem>>)
      %slice3A_194 = vector.extract_strided_slice %get3A_42 {offsets = [11], sizes = [1], strides = [1]} : vector<16xi32> to vector<1xi32>
      %squeeze3A_195 = vector.extract %slice3A_194[0] : i32 from vector<1xi32>
      %mul3A_196 = arith.constant 16 : i32
      %mul3A_197 = arith.muli %scan3A_38, %mul3A_196 : i32
      %add3A_198 = arith.constant 11 : i32
      %add3A_199 = arith.addi %mul3A_197, %add3A_198 : i32
      %dma_start3A_200 = arith.constant 0 : i32
      %dma_start3A_201 = tpu.memref_slice %arg8[%add3A_199, %dma_start3A_200] : memref<512x64xf32, #tpu.memory_space<vmem>> -> memref<1x64xf32, #tpu.memory_space<vmem>>
      %dma_start3A_202 = arith.constant 0 : i32
      %dma_start3A_203 = tpu.memref_slice %arg2[%squeeze3A_195, %dma_start3A_202] : memref<1000000x64xf32, #tpu.memory_space<hbm>> -> memref<1x64xf32, #tpu.memory_space<hbm>>
      %dma_start3A_204 = arith.constant 0 : i32
      %dma_start3A_205 = tpu.memref_slice %arg8[%add3A_199, %dma_start3A_204] : memref<512x64xf32, #tpu.memory_space<vmem>> -> memref<1x64xf32, #tpu.memory_space<vmem>>
      %dma_start3A_206 = arith.constant 0 : i32
      %dma_start3A_207 = tpu.memref_slice %arg2[%squeeze3A_195, %dma_start3A_206] : memref<1000000x64xf32, #tpu.memory_space<hbm>> -> memref<1x64xf32, #tpu.memory_space<hbm>>
      tpu.enqueue_dma source(%dma_start3A_207 : memref<1x64xf32, #tpu.memory_space<hbm>>) target(%dma_start3A_205 : memref<1x64xf32, #tpu.memory_space<vmem>>) target_semaphore(%arg10 : memref<!tpu.dma_semaphore, #tpu.memory_space<semaphore_mem>>)
      %slice3A_208 = vector.extract_strided_slice %get3A_42 {offsets = [12], sizes = [1], strides = [1]} : vector<16xi32> to vector<1xi32>
      %squeeze3A_209 = vector.extract %slice3A_208[0] : i32 from vector<1xi32>
      %mul3A_210 = arith.constant 16 : i32
      %mul3A_211 = arith.muli %scan3A_38, %mul3A_210 : i32
      %add3A_212 = arith.constant 12 : i32
      %add3A_213 = arith.addi %mul3A_211, %add3A_212 : i32
      %dma_start3A_214 = arith.constant 0 : i32
      %dma_start3A_215 = tpu.memref_slice %arg8[%add3A_213, %dma_start3A_214] : memref<512x64xf32, #tpu.memory_space<vmem>> -> memref<1x64xf32, #tpu.memory_space<vmem>>
      %dma_start3A_216 = arith.constant 0 : i32
      %dma_start3A_217 = tpu.memref_slice %arg2[%squeeze3A_209, %dma_start3A_216] : memref<1000000x64xf32, #tpu.memory_space<hbm>> -> memref<1x64xf32, #tpu.memory_space<hbm>>
      %dma_start3A_218 = arith.constant 0 : i32
      %dma_start3A_219 = tpu.memref_slice %arg8[%add3A_213, %dma_start3A_218] : memref<512x64xf32, #tpu.memory_space<vmem>> -> memref<1x64xf32, #tpu.memory_space<vmem>>
      %dma_start3A_220 = arith.constant 0 : i32
      %dma_start3A_221 = tpu.memref_slice %arg2[%squeeze3A_209, %dma_start3A_220] : memref<1000000x64xf32, #tpu.memory_space<hbm>> -> memref<1x64xf32, #tpu.memory_space<hbm>>
      tpu.enqueue_dma source(%dma_start3A_221 : memref<1x64xf32, #tpu.memory_space<hbm>>) target(%dma_start3A_219 : memref<1x64xf32, #tpu.memory_space<vmem>>) target_semaphore(%arg10 : memref<!tpu.dma_semaphore, #tpu.memory_space<semaphore_mem>>)
      %slice3A_222 = vector.extract_strided_slice %get3A_42 {offsets = [13], sizes = [1], strides = [1]} : vector<16xi32> to vector<1xi32>
      %squeeze3A_223 = vector.extract %slice3A_222[0] : i32 from vector<1xi32>
      %mul3A_224 = arith.constant 16 : i32
      %mul3A_225 = arith.muli %scan3A_38, %mul3A_224 : i32
      %add3A_226 = arith.constant 13 : i32
      %add3A_227 = arith.addi %mul3A_225, %add3A_226 : i32
      %dma_start3A_228 = arith.constant 0 : i32
      %dma_start3A_229 = tpu.memref_slice %arg8[%add3A_227, %dma_start3A_228] : memref<512x64xf32, #tpu.memory_space<vmem>> -> memref<1x64xf32, #tpu.memory_space<vmem>>
      %dma_start3A_230 = arith.constant 0 : i32
      %dma_start3A_231 = tpu.memref_slice %arg2[%squeeze3A_223, %dma_start3A_230] : memref<1000000x64xf32, #tpu.memory_space<hbm>> -> memref<1x64xf32, #tpu.memory_space<hbm>>
      %dma_start3A_232 = arith.constant 0 : i32
      %dma_start3A_233 = tpu.memref_slice %arg8[%add3A_227, %dma_start3A_232] : memref<512x64xf32, #tpu.memory_space<vmem>> -> memref<1x64xf32, #tpu.memory_space<vmem>>
      %dma_start3A_234 = arith.constant 0 : i32
      %dma_start3A_235 = tpu.memref_slice %arg2[%squeeze3A_223, %dma_start3A_234] : memref<1000000x64xf32, #tpu.memory_space<hbm>> -> memref<1x64xf32, #tpu.memory_space<hbm>>
      tpu.enqueue_dma source(%dma_start3A_235 : memref<1x64xf32, #tpu.memory_space<hbm>>) target(%dma_start3A_233 : memref<1x64xf32, #tpu.memory_space<vmem>>) target_semaphore(%arg10 : memref<!tpu.dma_semaphore, #tpu.memory_space<semaphore_mem>>)
      %slice3A_236 = vector.extract_strided_slice %get3A_42 {offsets = [14], sizes = [1], strides = [1]} : vector<16xi32> to vector<1xi32>
      %squeeze3A_237 = vector.extract %slice3A_236[0] : i32 from vector<1xi32>
      %mul3A_238 = arith.constant 16 : i32
      %mul3A_239 = arith.muli %scan3A_38, %mul3A_238 : i32
      %add3A_240 = arith.constant 14 : i32
      %add3A_241 = arith.addi %mul3A_239, %add3A_240 : i32
      %dma_start3A_242 = arith.constant 0 : i32
      %dma_start3A_243 = tpu.memref_slice %arg8[%add3A_241, %dma_start3A_242] : memref<512x64xf32, #tpu.memory_space<vmem>> -> memref<1x64xf32, #tpu.memory_space<vmem>>
      %dma_start3A_244 = arith.constant 0 : i32
      %dma_start3A_245 = tpu.memref_slice %arg2[%squeeze3A_237, %dma_start3A_244] : memref<1000000x64xf32, #tpu.memory_space<hbm>> -> memref<1x64xf32, #tpu.memory_space<hbm>>
      %dma_start3A_246 = arith.constant 0 : i32
      %dma_start3A_247 = tpu.memref_slice %arg8[%add3A_241, %dma_start3A_246] : memref<512x64xf32, #tpu.memory_space<vmem>> -> memref<1x64xf32, #tpu.memory_space<vmem>>
      %dma_start3A_248 = arith.constant 0 : i32
      %dma_start3A_249 = tpu.memref_slice %arg2[%squeeze3A_237, %dma_start3A_248] : memref<1000000x64xf32, #tpu.memory_space<hbm>> -> memref<1x64xf32, #tpu.memory_space<hbm>>
      tpu.enqueue_dma source(%dma_start3A_249 : memref<1x64xf32, #tpu.memory_space<hbm>>) target(%dma_start3A_247 : memref<1x64xf32, #tpu.memory_space<vmem>>) target_semaphore(%arg10 : memref<!tpu.dma_semaphore, #tpu.memory_space<semaphore_mem>>)
      %slice3A_250 = vector.extract_strided_slice %get3A_42 {offsets = [15], sizes = [1], strides = [1]} : vector<16xi32> to vector<1xi32>
      %squeeze3A_251 = vector.extract %slice3A_250[0] : i32 from vector<1xi32>
      %mul3A_252 = arith.constant 16 : i32
      %mul3A_253 = arith.muli %scan3A_38, %mul3A_252 : i32
      %add3A_254 = arith.constant 15 : i32
      %add3A_255 = arith.addi %mul3A_253, %add3A_254 : i32
      %dma_start3A_256 = arith.constant 0 : i32
      %dma_start3A_257 = tpu.memref_slice %arg8[%add3A_255, %dma_start3A_256] : memref<512x64xf32, #tpu.memory_space<vmem>> -> memref<1x64xf32, #tpu.memory_space<vmem>>
      %dma_start3A_258 = arith.constant 0 : i32
      %dma_start3A_259 = tpu.memref_slice %arg2[%squeeze3A_251, %dma_start3A_258] : memref<1000000x64xf32, #tpu.memory_space<hbm>> -> memref<1x64xf32, #tpu.memory_space<hbm>>
      %dma_start3A_260 = arith.constant 0 : i32
      %dma_start3A_261 = tpu.memref_slice %arg8[%add3A_255, %dma_start3A_260] : memref<512x64xf32, #tpu.memory_space<vmem>> -> memref<1x64xf32, #tpu.memory_space<vmem>>
      %dma_start3A_262 = arith.constant 0 : i32
      %dma_start3A_263 = tpu.memref_slice %arg2[%squeeze3A_251, %dma_start3A_262] : memref<1000000x64xf32, #tpu.memory_space<hbm>> -> memref<1x64xf32, #tpu.memory_space<hbm>>
      tpu.enqueue_dma source(%dma_start3A_263 : memref<1x64xf32, #tpu.memory_space<hbm>>) target(%dma_start3A_261 : memref<1x64xf32, #tpu.memory_space<vmem>>) target_semaphore(%arg10 : memref<!tpu.dma_semaphore, #tpu.memory_space<semaphore_mem>>)
    }
    %scan3A_7 = arith.constant 32 : i32
    %dma_wait3A = arith.constant 0 : i32
    %dma_wait3A_8 = arith.constant 0 : i32
    %dma_wait3A_9 = tpu.memref_slice %arg2[%dma_wait3A, %dma_wait3A_8] : memref<1000000x64xf32, #tpu.memory_space<hbm>> -> memref<512x64xf32, #tpu.memory_space<hbm>>
    %dma_wait3A_10 = arith.constant 0 : i32
    %dma_wait3A_11 = arith.constant 0 : i32
    %dma_wait3A_12 = tpu.memref_slice %arg2[%dma_wait3A_10, %dma_wait3A_11] : memref<1000000x64xf32, #tpu.memory_space<hbm>> -> memref<512x64xf32, #tpu.memory_space<hbm>>
    tpu.wait_dma2 semaphore(%arg10 : memref<!tpu.dma_semaphore, #tpu.memory_space<semaphore_mem>>) src(%dma_wait3A_12 : memref<512x64xf32, #tpu.memory_space<hbm>>) dst(%arg8 : memref<512x64xf32, #tpu.memory_space<vmem>>)
    %get3A = arith.constant 0 : index
    %get3A_13 = tpu.vector_load %arg7[%get3A] {strides = array<i32>} : memref<32xi32, #tpu.memory_space<vmem>>, vector<16xi32>,
    %get3A_14 = arith.constant 16 : index
    %get3A_15 = tpu.vector_load %arg7[%get3A_14] {strides = array<i32>} : memref<32xi32, #tpu.memory_space<vmem>>, vector<16xi32>,
    %scan3A_16 = arith.constant 0 : i32
    %scan3A_17 = arith.constant 0 : i32
    %scan3A_18 = arith.constant 512 : i32
    %scan3A_19 = arith.addi %scan3A_17, %scan3A_18 : i32
    %scan3A_20 = arith.constant 4 : i32
    scf.for %scan3A_38 = %scan3A_17 to %scan3A_19 step %scan3A_20  : i32 {
      %broadcast_in_dim3A = vector.broadcast %scan3A_38 : i32 to vector<16xi32>
      %jit3A_39 = arith.constant 4 : i32
      %eq3A = arith.constant 0 : i32
      %eq3A_40 = arith.cmpi eq, %jit3A_39, %eq3A : i32
      %jit3A_41 = arith.constant 1 : i32
      %select_n3A_42 = arith.select %eq3A_40, %jit3A_41, %jit3A_39 : i32
      %rem3A_43 = arith.remsi %scan3A_38, %select_n3A_42 : i32
      %ne3A_44 = arith.constant 0 : i32
      %ne3A_45 = arith.cmpi ne, %rem3A_43, %ne3A_44 : i32
      %lt3A = arith.constant 0 : i32
      %lt3A_46 = arith.cmpi slt, %rem3A_43, %lt3A : i32
      %lt3A_47 = arith.constant 0 : i32
      %lt3A_48 = arith.cmpi slt, %select_n3A_42, %lt3A_47 : i32
      %ne3A_49 = arith.xori %lt3A_46, %lt3A_48 : i1
      %and3A_50 = arith.andi %ne3A_49, %ne3A_45 : i1
      %add3A_51 = arith.addi %rem3A_43, %select_n3A_42 : i32
      %select_n3A_52 = arith.select %and3A_50, %add3A_51, %rem3A_43 : i32
      %mul3A_53 = arith.constant 32 : i32
      %mul3A_54 = arith.muli %select_n3A_52, %mul3A_53 : i32
      %gather3A = tpu.vector_load_idx %arg8[%broadcast_in_dim3A, %get3A_13] : memref<512x64xf32, #tpu.memory_space<vmem>>[vector<16xi32>, vector<16xi32>], vector<16xf32>,
      %jit3A_55 = arith.constant 4 : i32
      %div3A_56 = arith.divsi %scan3A_38, %jit3A_55 : i32
      %sign3A_57 = arith.constant 0 : i32
      %sign3A_58 = arith.cmpi sgt, %scan3A_38, %sign3A_57 : i32
      %sign3A_59 = arith.extui %sign3A_58 : i1 to i32
      %sign3A_60 = arith.constant 0 : i32
      %sign3A_61 = arith.cmpi slt, %scan3A_38, %sign3A_60 : i32
      %sign3A_62 = arith.extui %sign3A_61 : i1 to i32
      %sign3A_63 = arith.subi %sign3A_59, %sign3A_62 : i32
      %sign3A_64 = arith.constant 0 : i32
      %sign3A_65 = arith.cmpi sgt, %jit3A_55, %sign3A_64 : i32
      %sign3A_66 = arith.extui %sign3A_65 : i1 to i32
      %sign3A_67 = arith.constant 0 : i32
      %sign3A_68 = arith.cmpi slt, %jit3A_55, %sign3A_67 : i32
      %sign3A_69 = arith.extui %sign3A_68 : i1 to i32
      %sign3A_70 = arith.subi %sign3A_66, %sign3A_69 : i32
      %ne3A_71 = arith.cmpi ne, %sign3A_63, %sign3A_70 : i32
      %rem3A_72 = arith.remsi %scan3A_38, %jit3A_55 : i32
      %ne3A_73 = arith.constant 0 : i32
      %ne3A_74 = arith.cmpi ne, %rem3A_72, %ne3A_73 : i32
      %and3A_75 = arith.andi %ne3A_71, %ne3A_74 : i1
      %sub3A_76 = arith.constant 1 : i32
      %sub3A_77 = arith.subi %div3A_56, %sub3A_76 : i32
      %select_n3A_78 = arith.select %and3A_75, %sub3A_77, %div3A_56 : i32
      %swap3A = arith.index_cast %select_n3A_78 : i32 to index
      %swap3A_79 = arith.index_cast %mul3A_54 : i32 to index
      %swap3A_80 = tpu.vector_load %arg9[%swap3A, %swap3A_79] {strides = array<i32>} : memref<128x128xf32, #tpu.memory_space<vmem>>, vector<16xf32>,
      tpu.vector_store %arg9[%swap3A, %swap3A_79], %gather3A {strides = array<i32>} : memref<128x128xf32, #tpu.memory_space<vmem>>, vector<16xf32>,
      %gather3A_81 = tpu.vector_load_idx %arg8[%broadcast_in_dim3A, %get3A_15] : memref<512x64xf32, #tpu.memory_space<vmem>>[vector<16xi32>, vector<16xi32>], vector<16xf32>,
      %jit3A_82 = arith.constant 4 : i32
      %div3A_83 = arith.divsi %scan3A_38, %jit3A_82 : i32
      %sign3A_84 = arith.constant 0 : i32
      %sign3A_85 = arith.cmpi sgt, %scan3A_38, %sign3A_84 : i32
      %sign3A_86 = arith.extui %sign3A_85 : i1 to i32
      %sign3A_87 = arith.constant 0 : i32
      %sign3A_88 = arith.cmpi slt, %scan3A_38, %sign3A_87 : i32
      %sign3A_89 = arith.extui %sign3A_88 : i1 to i32
      %sign3A_90 = arith.subi %sign3A_86, %sign3A_89 : i32
      %sign3A_91 = arith.constant 0 : i32
      %sign3A_92 = arith.cmpi sgt, %jit3A_82, %sign3A_91 : i32
      %sign3A_93 = arith.extui %sign3A_92 : i1 to i32
      %sign3A_94 = arith.constant 0 : i32
      %sign3A_95 = arith.cmpi slt, %jit3A_82, %sign3A_94 : i32
      %sign3A_96 = arith.extui %sign3A_95 : i1 to i32
      %sign3A_97 = arith.subi %sign3A_93, %sign3A_96 : i32
      %ne3A_98 = arith.cmpi ne, %sign3A_90, %sign3A_97 : i32
      %rem3A_99 = arith.remsi %scan3A_38, %jit3A_82 : i32
      %ne3A_100 = arith.constant 0 : i32
      %ne3A_101 = arith.cmpi ne, %rem3A_99, %ne3A_100 : i32
      %and3A_102 = arith.andi %ne3A_98, %ne3A_101 : i1
      %sub3A_103 = arith.constant 1 : i32
      %sub3A_104 = arith.subi %div3A_83, %sub3A_103 : i32
      %select_n3A_105 = arith.select %and3A_102, %sub3A_104, %div3A_83 : i32
      %add3A_106 = arith.constant 16 : i32
      %add3A_107 = arith.addi %mul3A_54, %add3A_106 : i32
      %swap3A_108 = arith.index_cast %select_n3A_105 : i32 to index
      %swap3A_109 = arith.index_cast %add3A_107 : i32 to index
      %swap3A_110 = tpu.vector_load %arg9[%swap3A_108, %swap3A_109] {strides = array<i32>} : memref<128x128xf32, #tpu.memory_space<vmem>>, vector<16xf32>,
      tpu.vector_store %arg9[%swap3A_108, %swap3A_109], %gather3A_81 {strides = array<i32>} : memref<128x128xf32, #tpu.memory_space<vmem>>, vector<16xf32>,
      %scan3A_111 = arith.constant 1 : i32
      %scan3A_112 = arith.addi %scan3A_38, %scan3A_111 : i32
      %broadcast_in_dim3A_113 = vector.broadcast %scan3A_112 : i32 to vector<16xi32>
      %jit3A_114 = arith.constant 4 : i32
      %eq3A_115 = arith.constant 0 : i32
      %eq3A_116 = arith.cmpi eq, %jit3A_114, %eq3A_115 : i32
      %jit3A_117 = arith.constant 1 : i32
      %select_n3A_118 = arith.select %eq3A_116, %jit3A_117, %jit3A_114 : i32
      %rem3A_119 = arith.remsi %scan3A_112, %select_n3A_118 : i32
      %ne3A_120 = arith.constant 0 : i32
      %ne3A_121 = arith.cmpi ne, %rem3A_119, %ne3A_120 : i32
      %lt3A_122 = arith.constant 0 : i32
      %lt3A_123 = arith.cmpi slt, %rem3A_119, %lt3A_122 : i32
      %lt3A_124 = arith.constant 0 : i32
      %lt3A_125 = arith.cmpi slt, %select_n3A_118, %lt3A_124 : i32
      %ne3A_126 = arith.xori %lt3A_123, %lt3A_125 : i1
      %and3A_127 = arith.andi %ne3A_126, %ne3A_121 : i1
      %add3A_128 = arith.addi %rem3A_119, %select_n3A_118 : i32
      %select_n3A_129 = arith.select %and3A_127, %add3A_128, %rem3A_119 : i32
      %mul3A_130 = arith.constant 32 : i32
      %mul3A_131 = arith.muli %select_n3A_129, %mul3A_130 : i32
      %gather3A_132 = tpu.vector_load_idx %arg8[%broadcast_in_dim3A_113, %get3A_13] : memref<512x64xf32, #tpu.memory_space<vmem>>[vector<16xi32>, vector<16xi32>], vector<16xf32>,
      %jit3A_133 = arith.constant 4 : i32
      %div3A_134 = arith.divsi %scan3A_112, %jit3A_133 : i32
      %sign3A_135 = arith.constant 0 : i32
      %sign3A_136 = arith.cmpi sgt, %scan3A_112, %sign3A_135 : i32
      %sign3A_137 = arith.extui %sign3A_136 : i1 to i32
      %sign3A_138 = arith.constant 0 : i32
      %sign3A_139 = arith.cmpi slt, %scan3A_112, %sign3A_138 : i32
      %sign3A_140 = arith.extui %sign3A_139 : i1 to i32
      %sign3A_141 = arith.subi %sign3A_137, %sign3A_140 : i32
      %sign3A_142 = arith.constant 0 : i32
      %sign3A_143 = arith.cmpi sgt, %jit3A_133, %sign3A_142 : i32
      %sign3A_144 = arith.extui %sign3A_143 : i1 to i32
      %sign3A_145 = arith.constant 0 : i32
      %sign3A_146 = arith.cmpi slt, %jit3A_133, %sign3A_145 : i32
      %sign3A_147 = arith.extui %sign3A_146 : i1 to i32
      %sign3A_148 = arith.subi %sign3A_144, %sign3A_147 : i32
      %ne3A_149 = arith.cmpi ne, %sign3A_141, %sign3A_148 : i32
      %rem3A_150 = arith.remsi %scan3A_112, %jit3A_133 : i32
      %ne3A_151 = arith.constant 0 : i32
      %ne3A_152 = arith.cmpi ne, %rem3A_150, %ne3A_151 : i32
      %and3A_153 = arith.andi %ne3A_149, %ne3A_152 : i1
      %sub3A_154 = arith.constant 1 : i32
      %sub3A_155 = arith.subi %div3A_134, %sub3A_154 : i32
      %select_n3A_156 = arith.select %and3A_153, %sub3A_155, %div3A_134 : i32
      %swap3A_157 = arith.index_cast %select_n3A_156 : i32 to index
      %swap3A_158 = arith.index_cast %mul3A_131 : i32 to index
      %swap3A_159 = tpu.vector_load %arg9[%swap3A_157, %swap3A_158] {strides = array<i32>} : memref<128x128xf32, #tpu.memory_space<vmem>>, vector<16xf32>,
      tpu.vector_store %arg9[%swap3A_157, %swap3A_158], %gather3A_132 {strides = array<i32>} : memref<128x128xf32, #tpu.memory_space<vmem>>, vector<16xf32>,
      %gather3A_160 = tpu.vector_load_idx %arg8[%broadcast_in_dim3A_113, %get3A_15] : memref<512x64xf32, #tpu.memory_space<vmem>>[vector<16xi32>, vector<16xi32>], vector<16xf32>,
      %jit3A_161 = arith.constant 4 : i32
      %div3A_162 = arith.divsi %scan3A_112, %jit3A_161 : i32
      %sign3A_163 = arith.constant 0 : i32
      %sign3A_164 = arith.cmpi sgt, %scan3A_112, %sign3A_163 : i32
      %sign3A_165 = arith.extui %sign3A_164 : i1 to i32
      %sign3A_166 = arith.constant 0 : i32
      %sign3A_167 = arith.cmpi slt, %scan3A_112, %sign3A_166 : i32
      %sign3A_168 = arith.extui %sign3A_167 : i1 to i32
      %sign3A_169 = arith.subi %sign3A_165, %sign3A_168 : i32
      %sign3A_170 = arith.constant 0 : i32
      %sign3A_171 = arith.cmpi sgt, %jit3A_161, %sign3A_170 : i32
      %sign3A_172 = arith.extui %sign3A_171 : i1 to i32
      %sign3A_173 = arith.constant 0 : i32
      %sign3A_174 = arith.cmpi slt, %jit3A_161, %sign3A_173 : i32
      %sign3A_175 = arith.extui %sign3A_174 : i1 to i32
      %sign3A_176 = arith.subi %sign3A_172, %sign3A_175 : i32
      %ne3A_177 = arith.cmpi ne, %sign3A_169, %sign3A_176 : i32
      %rem3A_178 = arith.remsi %scan3A_112, %jit3A_161 : i32
      %ne3A_179 = arith.constant 0 : i32
      %ne3A_180 = arith.cmpi ne, %rem3A_178, %ne3A_179 : i32
      %and3A_181 = arith.andi %ne3A_177, %ne3A_180 : i1
      %sub3A_182 = arith.constant 1 : i32
      %sub3A_183 = arith.subi %div3A_162, %sub3A_182 : i32
      %select_n3A_184 = arith.select %and3A_181, %sub3A_183, %div3A_162 : i32
      %add3A_185 = arith.constant 16 : i32
      %add3A_186 = arith.addi %mul3A_131, %add3A_185 : i32
      %swap3A_187 = arith.index_cast %select_n3A_184 : i32 to index
      %swap3A_188 = arith.index_cast %add3A_186 : i32 to index
      %swap3A_189 = tpu.vector_load %arg9[%swap3A_187, %swap3A_188] {strides = array<i32>} : memref<128x128xf32, #tpu.memory_space<vmem>>, vector<16xf32>,
      tpu.vector_store %arg9[%swap3A_187, %swap3A_188], %gather3A_160 {strides = array<i32>} : memref<128x128xf32, #tpu.memory_space<vmem>>, vector<16xf32>,
      %scan3A_190 = arith.constant 2 : i32
      %scan3A_191 = arith.addi %scan3A_38, %scan3A_190 : i32
      %broadcast_in_dim3A_192 = vector.broadcast %scan3A_191 : i32 to vector<16xi32>
      %jit3A_193 = arith.constant 4 : i32
      %eq3A_194 = arith.constant 0 : i32
      %eq3A_195 = arith.cmpi eq, %jit3A_193, %eq3A_194 : i32
      %jit3A_196 = arith.constant 1 : i32
      %select_n3A_197 = arith.select %eq3A_195, %jit3A_196, %jit3A_193 : i32
      %rem3A_198 = arith.remsi %scan3A_191, %select_n3A_197 : i32
      %ne3A_199 = arith.constant 0 : i32
      %ne3A_200 = arith.cmpi ne, %rem3A_198, %ne3A_199 : i32
      %lt3A_201 = arith.constant 0 : i32
      %lt3A_202 = arith.cmpi slt, %rem3A_198, %lt3A_201 : i32
      %lt3A_203 = arith.constant 0 : i32
      %lt3A_204 = arith.cmpi slt, %select_n3A_197, %lt3A_203 : i32
      %ne3A_205 = arith.xori %lt3A_202, %lt3A_204 : i1
      %and3A_206 = arith.andi %ne3A_205, %ne3A_200 : i1
      %add3A_207 = arith.addi %rem3A_198, %select_n3A_197 : i32
      %select_n3A_208 = arith.select %and3A_206, %add3A_207, %rem3A_198 : i32
      %mul3A_209 = arith.constant 32 : i32
      %mul3A_210 = arith.muli %select_n3A_208, %mul3A_209 : i32
      %gather3A_211 = tpu.vector_load_idx %arg8[%broadcast_in_dim3A_192, %get3A_13] : memref<512x64xf32, #tpu.memory_space<vmem>>[vector<16xi32>, vector<16xi32>], vector<16xf32>,
      %jit3A_212 = arith.constant 4 : i32
      %div3A_213 = arith.divsi %scan3A_191, %jit3A_212 : i32
      %sign3A_214 = arith.constant 0 : i32
      %sign3A_215 = arith.cmpi sgt, %scan3A_191, %sign3A_214 : i32
      %sign3A_216 = arith.extui %sign3A_215 : i1 to i32
      %sign3A_217 = arith.constant 0 : i32
      %sign3A_218 = arith.cmpi slt, %scan3A_191, %sign3A_217 : i32
      %sign3A_219 = arith.extui %sign3A_218 : i1 to i32
      %sign3A_220 = arith.subi %sign3A_216, %sign3A_219 : i32
      %sign3A_221 = arith.constant 0 : i32
      %sign3A_222 = arith.cmpi sgt, %jit3A_212, %sign3A_221 : i32
      %sign3A_223 = arith.extui %sign3A_222 : i1 to i32
      %sign3A_224 = arith.constant 0 : i32
      %sign3A_225 = arith.cmpi slt, %jit3A_212, %sign3A_224 : i32
      %sign3A_226 = arith.extui %sign3A_225 : i1 to i32
      %sign3A_227 = arith.subi %sign3A_223, %sign3A_226 : i32
      %ne3A_228 = arith.cmpi ne, %sign3A_220, %sign3A_227 : i32
      %rem3A_229 = arith.remsi %scan3A_191, %jit3A_212 : i32
      %ne3A_230 = arith.constant 0 : i32
      %ne3A_231 = arith.cmpi ne, %rem3A_229, %ne3A_230 : i32
      %and3A_232 = arith.andi %ne3A_228, %ne3A_231 : i1
      %sub3A_233 = arith.constant 1 : i32
      %sub3A_234 = arith.subi %div3A_213, %sub3A_233 : i32
      %select_n3A_235 = arith.select %and3A_232, %sub3A_234, %div3A_213 : i32
      %swap3A_236 = arith.index_cast %select_n3A_235 : i32 to index
      %swap3A_237 = arith.index_cast %mul3A_210 : i32 to index
      %swap3A_238 = tpu.vector_load %arg9[%swap3A_236, %swap3A_237] {strides = array<i32>} : memref<128x128xf32, #tpu.memory_space<vmem>>, vector<16xf32>,
      tpu.vector_store %arg9[%swap3A_236, %swap3A_237], %gather3A_211 {strides = array<i32>} : memref<128x128xf32, #tpu.memory_space<vmem>>, vector<16xf32>,
      %gather3A_239 = tpu.vector_load_idx %arg8[%broadcast_in_dim3A_192, %get3A_15] : memref<512x64xf32, #tpu.memory_space<vmem>>[vector<16xi32>, vector<16xi32>], vector<16xf32>,
      %jit3A_240 = arith.constant 4 : i32
      %div3A_241 = arith.divsi %scan3A_191, %jit3A_240 : i32
      %sign3A_242 = arith.constant 0 : i32
      %sign3A_243 = arith.cmpi sgt, %scan3A_191, %sign3A_242 : i32
      %sign3A_244 = arith.extui %sign3A_243 : i1 to i32
      %sign3A_245 = arith.constant 0 : i32
      %sign3A_246 = arith.cmpi slt, %scan3A_191, %sign3A_245 : i32
      %sign3A_247 = arith.extui %sign3A_246 : i1 to i32
      %sign3A_248 = arith.subi %sign3A_244, %sign3A_247 : i32
      %sign3A_249 = arith.constant 0 : i32
      %sign3A_250 = arith.cmpi sgt, %jit3A_240, %sign3A_249 : i32
      %sign3A_251 = arith.extui %sign3A_250 : i1 to i32
      %sign3A_252 = arith.constant 0 : i32
      %sign3A_253 = arith.cmpi slt, %jit3A_240, %sign3A_252 : i32
      %sign3A_254 = arith.extui %sign3A_253 : i1 to i32
      %sign3A_255 = arith.subi %sign3A_251, %sign3A_254 : i32
      %ne3A_256 = arith.cmpi ne, %sign3A_248, %sign3A_255 : i32
      %rem3A_257 = arith.remsi %scan3A_191, %jit3A_240 : i32
      %ne3A_258 = arith.constant 0 : i32
      %ne3A_259 = arith.cmpi ne, %rem3A_257, %ne3A_258 : i32
      %and3A_260 = arith.andi %ne3A_256, %ne3A_259 : i1
      %sub3A_261 = arith.constant 1 : i32
      %sub3A_262 = arith.subi %div3A_241, %sub3A_261 : i32
      %select_n3A_263 = arith.select %and3A_260, %sub3A_262, %div3A_241 : i32
      %add3A_264 = arith.constant 16 : i32
      %add3A_265 = arith.addi %mul3A_210, %add3A_264 : i32
      %swap3A_266 = arith.index_cast %select_n3A_263 : i32 to index
      %swap3A_267 = arith.index_cast %add3A_265 : i32 to index
      %swap3A_268 = tpu.vector_load %arg9[%swap3A_266, %swap3A_267] {strides = array<i32>} : memref<128x128xf32, #tpu.memory_space<vmem>>, vector<16xf32>,
      tpu.vector_store %arg9[%swap3A_266, %swap3A_267], %gather3A_239 {strides = array<i32>} : memref<128x128xf32, #tpu.memory_space<vmem>>, vector<16xf32>,
      %scan3A_269 = arith.constant 3 : i32
      %scan3A_270 = arith.addi %scan3A_38, %scan3A_269 : i32
      %broadcast_in_dim3A_271 = vector.broadcast %scan3A_270 : i32 to vector<16xi32>
      %jit3A_272 = arith.constant 4 : i32
      %eq3A_273 = arith.constant 0 : i32
      %eq3A_274 = arith.cmpi eq, %jit3A_272, %eq3A_273 : i32
      %jit3A_275 = arith.constant 1 : i32
      %select_n3A_276 = arith.select %eq3A_274, %jit3A_275, %jit3A_272 : i32
      %rem3A_277 = arith.remsi %scan3A_270, %select_n3A_276 : i32
      %ne3A_278 = arith.constant 0 : i32
      %ne3A_279 = arith.cmpi ne, %rem3A_277, %ne3A_278 : i32
      %lt3A_280 = arith.constant 0 : i32
      %lt3A_281 = arith.cmpi slt, %rem3A_277, %lt3A_280 : i32
      %lt3A_282 = arith.constant 0 : i32
      %lt3A_283 = arith.cmpi slt, %select_n3A_276, %lt3A_282 : i32
      %ne3A_284 = arith.xori %lt3A_281, %lt3A_283 : i1
      %and3A_285 = arith.andi %ne3A_284, %ne3A_279 : i1
      %add3A_286 = arith.addi %rem3A_277, %select_n3A_276 : i32
      %select_n3A_287 = arith.select %and3A_285, %add3A_286, %rem3A_277 : i32
      %mul3A_288 = arith.constant 32 : i32
      %mul3A_289 = arith.muli %select_n3A_287, %mul3A_288 : i32
      %gather3A_290 = tpu.vector_load_idx %arg8[%broadcast_in_dim3A_271, %get3A_13] : memref<512x64xf32, #tpu.memory_space<vmem>>[vector<16xi32>, vector<16xi32>], vector<16xf32>,
      %jit3A_291 = arith.constant 4 : i32
      %div3A_292 = arith.divsi %scan3A_270, %jit3A_291 : i32
      %sign3A_293 = arith.constant 0 : i32
      %sign3A_294 = arith.cmpi sgt, %scan3A_270, %sign3A_293 : i32
      %sign3A_295 = arith.extui %sign3A_294 : i1 to i32
      %sign3A_296 = arith.constant 0 : i32
      %sign3A_297 = arith.cmpi slt, %scan3A_270, %sign3A_296 : i32
      %sign3A_298 = arith.extui %sign3A_297 : i1 to i32
      %sign3A_299 = arith.subi %sign3A_295, %sign3A_298 : i32
      %sign3A_300 = arith.constant 0 : i32
      %sign3A_301 = arith.cmpi sgt, %jit3A_291, %sign3A_300 : i32
      %sign3A_302 = arith.extui %sign3A_301 : i1 to i32
      %sign3A_303 = arith.constant 0 : i32
      %sign3A_304 = arith.cmpi slt, %jit3A_291, %sign3A_303 : i32
      %sign3A_305 = arith.extui %sign3A_304 : i1 to i32
      %sign3A_306 = arith.subi %sign3A_302, %sign3A_305 : i32
      %ne3A_307 = arith.cmpi ne, %sign3A_299, %sign3A_306 : i32
      %rem3A_308 = arith.remsi %scan3A_270, %jit3A_291 : i32
      %ne3A_309 = arith.constant 0 : i32
      %ne3A_310 = arith.cmpi ne, %rem3A_308, %ne3A_309 : i32
      %and3A_311 = arith.andi %ne3A_307, %ne3A_310 : i1
      %sub3A_312 = arith.constant 1 : i32
      %sub3A_313 = arith.subi %div3A_292, %sub3A_312 : i32
      %select_n3A_314 = arith.select %and3A_311, %sub3A_313, %div3A_292 : i32
      %swap3A_315 = arith.index_cast %select_n3A_314 : i32 to index
      %swap3A_316 = arith.index_cast %mul3A_289 : i32 to index
      %swap3A_317 = tpu.vector_load %arg9[%swap3A_315, %swap3A_316] {strides = array<i32>} : memref<128x128xf32, #tpu.memory_space<vmem>>, vector<16xf32>,
      tpu.vector_store %arg9[%swap3A_315, %swap3A_316], %gather3A_290 {strides = array<i32>} : memref<128x128xf32, #tpu.memory_space<vmem>>, vector<16xf32>,
      %gather3A_318 = tpu.vector_load_idx %arg8[%broadcast_in_dim3A_271, %get3A_15] : memref<512x64xf32, #tpu.memory_space<vmem>>[vector<16xi32>, vector<16xi32>], vector<16xf32>,
      %jit3A_319 = arith.constant 4 : i32
      %div3A_320 = arith.divsi %scan3A_270, %jit3A_319 : i32
      %sign3A_321 = arith.constant 0 : i32
      %sign3A_322 = arith.cmpi sgt, %scan3A_270, %sign3A_321 : i32
      %sign3A_323 = arith.extui %sign3A_322 : i1 to i32
      %sign3A_324 = arith.constant 0 : i32
      %sign3A_325 = arith.cmpi slt, %scan3A_270, %sign3A_324 : i32
      %sign3A_326 = arith.extui %sign3A_325 : i1 to i32
      %sign3A_327 = arith.subi %sign3A_323, %sign3A_326 : i32
      %sign3A_328 = arith.constant 0 : i32
      %sign3A_329 = arith.cmpi sgt, %jit3A_319, %sign3A_328 : i32
      %sign3A_330 = arith.extui %sign3A_329 : i1 to i32
      %sign3A_331 = arith.constant 0 : i32
      %sign3A_332 = arith.cmpi slt, %jit3A_319, %sign3A_331 : i32
      %sign3A_333 = arith.extui %sign3A_332 : i1 to i32
      %sign3A_334 = arith.subi %sign3A_330, %sign3A_333 : i32
      %ne3A_335 = arith.cmpi ne, %sign3A_327, %sign3A_334 : i32
      %rem3A_336 = arith.remsi %scan3A_270, %jit3A_319 : i32
      %ne3A_337 = arith.constant 0 : i32
      %ne3A_338 = arith.cmpi ne, %rem3A_336, %ne3A_337 : i32
      %and3A_339 = arith.andi %ne3A_335, %ne3A_338 : i1
      %sub3A_340 = arith.constant 1 : i32
      %sub3A_341 = arith.subi %div3A_320, %sub3A_340 : i32
      %select_n3A_342 = arith.select %and3A_339, %sub3A_341, %div3A_320 : i32
      %add3A_343 = arith.constant 16 : i32
      %add3A_344 = arith.addi %mul3A_289, %add3A_343 : i32
      %swap3A_345 = arith.index_cast %select_n3A_342 : i32 to index
      %swap3A_346 = arith.index_cast %add3A_344 : i32 to index
      %swap3A_347 = tpu.vector_load %arg9[%swap3A_345, %swap3A_346] {strides = array<i32>} : memref<128x128xf32, #tpu.memory_space<vmem>>, vector<16xf32>,
      tpu.vector_store %arg9[%swap3A_345, %swap3A_346], %gather3A_318 {strides = array<i32>} : memref<128x128xf32, #tpu.memory_space<vmem>>, vector<16xf32>,
    }
    %scan3A_21 = arith.constant 512 : i32
    %jit3A = arith.constant 4 : i32
    %div3A = arith.divsi %mul3A_2, %jit3A : i32
    %sign3A = arith.constant 0 : i32
    %sign3A_22 = arith.cmpi sgt, %mul3A_2, %sign3A : i32
    %sign3A_23 = arith.extui %sign3A_22 : i1 to i32
    %sign3A_24 = arith.constant 0 : i32
    %sign3A_25 = arith.cmpi slt, %mul3A_2, %sign3A_24 : i32
    %sign3A_26 = arith.extui %sign3A_25 : i1 to i32
    %sign3A_27 = arith.subi %sign3A_23, %sign3A_26 : i32
    %sign3A_28 = arith.constant 0 : i32
    %sign3A_29 = arith.cmpi sgt, %jit3A, %sign3A_28 : i32
    %sign3A_30 = arith.extui %sign3A_29 : i1 to i32
    %sign3A_31 = arith.constant 0 : i32
    %sign3A_32 = arith.cmpi slt, %jit3A, %sign3A_31 : i32
    %sign3A_33 = arith.extui %sign3A_32 : i1 to i32
    %sign3A_34 = arith.subi %sign3A_30, %sign3A_33 : i32
    %ne3A = arith.cmpi ne, %sign3A_27, %sign3A_34 : i32
    %rem3A = arith.remsi %mul3A_2, %jit3A : i32
    %ne3A_35 = arith.constant 0 : i32
    %ne3A_36 = arith.cmpi ne, %rem3A, %ne3A_35 : i32
    %and3A = arith.andi %ne3A, %ne3A_36 : i1
    %sub3A = arith.constant 1 : i32
    %sub3A_37 = arith.subi %div3A, %sub3A : i32
    %select_n3A = arith.select %and3A, %sub3A_37, %div3A : i32
    %multiple_of3A = tpu.assume_multiple %select_n3A, 128 : i32
    "tpu.region"() ({
      %run_scoped3A = tpu.sem_alloc : memref<!tpu.dma_semaphore, #tpu.memory_space<semaphore_mem>>
      %dma_start3A = arith.constant 0 : i32
      %dma_start3A_38 = tpu.memref_slice %arg5[%multiple_of3A, %dma_start3A] : memref<4096x128xf32, #tpu.memory_space<hbm>> -> memref<128x128xf32, #tpu.memory_space<hbm>>
      %dma_start3A_39 = arith.constant 0 : i32
      %dma_start3A_40 = tpu.memref_slice %arg5[%multiple_of3A, %dma_start3A_39] : memref<4096x128xf32, #tpu.memory_space<hbm>> -> memref<128x128xf32, #tpu.memory_space<hbm>>
      tpu.enqueue_dma source(%arg9 : memref<128x128xf32, #tpu.memory_space<vmem>>) target(%dma_start3A_40 : memref<128x128xf32, #tpu.memory_space<hbm>>) target_semaphore(%run_scoped3A : memref<!tpu.dma_semaphore, #tpu.memory_space<semaphore_mem>>)
      %dma_wait3A_41 = arith.constant 0 : i32
      %dma_wait3A_42 = tpu.memref_slice %arg5[%multiple_of3A, %dma_wait3A_41] : memref<4096x128xf32, #tpu.memory_space<hbm>> -> memref<128x128xf32, #tpu.memory_space<hbm>>
      %dma_wait3A_43 = arith.constant 0 : i32
      %dma_wait3A_44 = tpu.memref_slice %arg5[%multiple_of3A, %dma_wait3A_43] : memref<4096x128xf32, #tpu.memory_space<hbm>> -> memref<128x128xf32, #tpu.memory_space<hbm>>
      tpu.wait_dma2 semaphore(%run_scoped3A : memref<!tpu.dma_semaphore, #tpu.memory_space<semaphore_mem>>) src(%arg9 : memref<128x128xf32, #tpu.memory_space<vmem>>) dst(%dma_wait3A_44 : memref<128x128xf32, #tpu.memory_space<hbm>>)
      tpu.yield
    }) : () -> ()
    return
  }
}

</mosaic_0001>

<sc_bundles>
// kernel: kernel.3.cloned.1.call-start
scs
__scs_entry_jumppad:
0x0: {  	(pc) =	sbr.rel $0x88, $3  }
0x1: {  	(tag) =	ssettag $0x0;
	lr =	simm.s32 $0x1  }
0x2: {  	[smem:$0x3F9E] =	sst lr;
	_ =	strace $0xD0000000  }
0x3: {  	_ = 	snop  }
0x4: {  	_ = 	snop  }
0x5: {  	_ = 	snop  }
0x6: {  	_ = 	snop  }
0x7: {  	_ = 	snop  }
__scs_overlays_trampoline_lowered:
0x8: {  	[smem:$0x3FAD] =	sst s0  }
0x9: {  	[smem:$0x3FAE] =	sst s1  }
0xa: {  	[smem:$0x3FAF] =	sst s2  }
0xb: {  	[smem:$0x3FB0] =	sst s3  }
0xc: {  	[smem:$0x3FB1] =	sst s4  }
0xd: {  	[smem:$0x3FB2] =	sst s5  }
0xe: {  	[smem:$0x3FB3] =	sst s6  }
0xf: {  	[smem:$0x3FB4] =	sst s7  }
0x10: {  	[smem:$0x3FB5] =	sst s8  }
0x11: {  	[smem:$0x3FB6] =	sst s9;
	s0 =	simm.s32 @!p0 $0x0  }
0x12: {  	s1 =	sld [smem:$0x3F9C];
	s0 =	simm.s32 @p0 $0x1  }
0x13: {  	[smem:$0x3FB7] =	sst s0;
	s0 =	simm.s32 @!p1 $0x0  }
0x14: {  	s2 =	sld [smem:$0x3F9B];
	s0 =	simm.s32 @p1 $0x1  }
0x15: {  	[smem:$0x3FB8] =	sst s0;
	s0 =	simm.s32 @!p2 $0x0  }
0x16: {  	s3 =	sld [smem:$0x3FDB];
	s0 =	simm.s32 @p2 $0x1  }
0x17: {  	s4 =	simm.s32 $0x1BF5;
	[smem:$0x3FBA] =	sst s0  }
0x18: {  	s0 =	sld [smem:$0x3F9D];
	_ =	swait.ge [sflag:s4], $0x0  }
0x19: {  	s7 =	sld [smem:$0x3F9E]  }
0x1a: {  	s8 =	sadd.s32 $0xFFFFE003, lr  }
0x1b: {  	s9 =	sadd.s32 $0xFFFFFEF7, lr;
	s5 =	simm.s32 $0xFFFFFFFF;
	p2 =	slt.u32 s8, $0xFFFFF086  }
0x1c: {  	p1 =	slt.u32 s9, $0xF7A;
	s5 =	simm.s32 @!p2 $0x0  }
0x1d: {  	s5 =	simm.s32 @p1 $0x1;
	p0 =	seq.s32 s7, s2  }
0x1e: {  	s7 =	smul.u32 @!p0 $0xF7A, s2;
	p2 =	seq.s32 @!p0 s5, $0x0  }
0x1f: {  	s9 =	smul.u32 $0xF7A, s1;
	s8 =	simm.s32 @!p0 $0x1BF5;
	p2 =	por !p2, p0  }
0x20: {  	[sflag:s8] =	ssyncset.s32 @!p0 $0xFFFFF086;
	s6 =	sadd.s32 @!p0 s3, s7;
	s7 =	simm.s32 @!p0 $0x108  }
0x21: {  	s3 =	sadd.s32 s3, s9;
	s6 =	sadd.s32 @!p0 $0x88, s6;
	s7 =	simm.s32 @p2 $0x1082  }
0x22: {  	[simem:s7], [sflag:s8] =	dma.local @!p0 [hbm:s6], $0xF7A  }
0x23: {  	s9 =	sor.u32 $0xD0000000, s2;
	s6 =	simm.s32 $0x108;
	_ =	swait.ge @!p0 [sflag:s8], $0x0  }
0x24: {  	s3 =	sadd.s32 $0x88, s3;
	s6 =	simm.s32 @!p1 $0x1082;
	[sflag:s4] =	ssyncset.s32 $0xFFFFF086  }
0x25: {  	[simem:s6], [sflag:s4] =	dma.local [hbm:s3], $0xF7A  }
0x26: {  	[smem:$0x3F9E] =	sst s1;
	(tag) =	ssettag s2;
	_ =	strace s9  }
0x27: {  	s1 =	sld [smem:$0x3FAE]  }
0x28: {  	s2 =	sld [smem:$0x3FAF]  }
0x29: {  	s4 =	sld [smem:$0x3FB1]  }
0x2a: {  	p0 =	seq.s32 s5, $0x0;
	s5 =	sld [smem:$0x3FB2]  }
0x2b: {  	s6 =	sld [smem:$0x3FB3]  }
0x2c: {  	s7 =	sld [smem:$0x3FB4]  }
0x2d: {  	s3 =	simm.s32 $0x108;
	s8 =	sld [smem:$0x3FB5]  }
0x2e: {  	s3 =	simm.s32 @!p0 $0x1082;
	s9 =	sld [smem:$0x3FB6]  }
0x2f: {  	lr =	sadd.s32 s0, s3;
	s0 =	sld [smem:$0x3FAD]  }
0x30: {  	s3 =	sld [smem:$0x3FB0]  }
0x31: {  	[smem:$0x3FB9] =	sst s10  }
0x32: {  	s10 =	sld [smem:$0x3FB7];
	_ =	sdelay $0x3  }
0x33: {  	p0 =	seq.s32 s10, $0x1;
	s10 =	sld [smem:$0x3FB9];
	_ =	sdelay $0x3  }
0x34: {  	[smem:$0x3FB9] =	sst s10  }
0x35: {  	s10 =	sld [smem:$0x3FB8];
	_ =	sdelay $0x3  }
0x36: {  	p1 =	seq.s32 s10, $0x1;
	s10 =	sld [smem:$0x3FB9];
	_ =	sdelay $0x3  }
0x37: {  	[smem:$0x3FB9] =	sst s10  }
0x38: {  	s10 =	sld [smem:$0x3FBA]  }
0x39: {  	_ = 	snop;
	(pc) =	sbr.ind lr, $3  }
0x3a: {  	_ = 	snop  }
0x3b: {  	_ = 	snop  }
0x3c: {  	p2 =	seq.s32 s10, $0x1;
	s10 =	sld [smem:$0x3FB9]  }
0x3d: {  	_ =	shalt  }
0x3e: {  	_ =	shalt  }
0x3f: {  	_ =	shalt  }
0x40: {  	_ =	shalt  }
0x41: {  	_ =	shalt  }
0x42: {  	_ =	shalt  }
0x43: {  	_ =	shalt  }
0x44: {  	_ =	shalt  }
0x45: {  	_ =	shalt  }
0x46: {  	_ =	shalt  }
0x47: {  	_ =	shalt  }
0x48: {  	_ =	shalt  }
0x49: {  	_ =	shalt  }
0x4a: {  	_ =	shalt  }
0x4b: {  	_ =	shalt  }
0x4c: {  	_ =	shalt  }
0x4d: {  	_ =	shalt  }
0x4e: {  	_ =	shalt  }
0x4f: {  	_ =	shalt  }
0x50: {  	_ =	shalt  }
0x51: {  	_ =	shalt  }
0x52: {  	_ =	shalt  }
0x53: {  	_ =	shalt  }
0x54: {  	_ =	shalt  }
0x55: {  	_ =	shalt  }
0x56: {  	_ =	shalt  }
0x57: {  	_ =	shalt  }
0x58: {  	_ =	shalt  }
0x59: {  	_ =	shalt  }
0x5a: {  	_ =	shalt  }
0x5b: {  	_ =	shalt  }
0x5c: {  	_ =	shalt  }
0x5d: {  	_ =	shalt  }
0x5e: {  	_ =	shalt  }
0x5f: {  	_ =	shalt  }
0x60: {  	_ =	shalt  }
0x61: {  	_ =	shalt  }
0x62: {  	_ =	shalt  }
0x63: {  	_ =	shalt  }
0x64: {  	_ =	shalt  }
0x65: {  	_ =	shalt  }
0x66: {  	_ =	shalt  }
0x67: {  	_ =	shalt  }
0x68: {  	_ =	shalt  }
0x69: {  	_ =	shalt  }
0x6a: {  	_ =	shalt  }
0x6b: {  	_ =	shalt  }
0x6c: {  	_ =	shalt  }
0x6d: {  	_ =	shalt  }
0x6e: {  	_ =	shalt  }
0x6f: {  	_ =	shalt  }
0x70: {  	_ =	shalt  }
0x71: {  	_ =	shalt  }
0x72: {  	_ =	shalt  }
0x73: {  	_ =	shalt  }
0x74: {  	_ =	shalt  }
0x75: {  	_ =	shalt  }
0x76: {  	_ =	shalt  }
0x77: {  	_ =	shalt  }
0x78: {  	_ =	shalt  }
0x79: {  	_ =	shalt  }
0x7a: {  	_ =	shalt  }
0x7b: {  	_ =	shalt  }
0x7c: {  	_ =	shalt  }
0x7d: {  	_ =	shalt  }
0x7e: {  	_ =	shalt  }
0x7f: {  	_ =	shalt  }
0x80: {  	_ =	shalt  }
0x81: {  	_ =	shalt  }
0x82: {  	_ =	shalt  }
0x83: {  	_ =	shalt  }
0x84: {  	_ =	shalt  }
0x85: {  	_ =	shalt  }
0x86: {  	_ =	shalt  }
0x87: {  	_ =	shalt  }
.Lfunc_end0:
.L_simem_size_0:
called_computation_lowered:
.L_overlay_start_0:
0x88: {  	s2 =	sld [smem:$0x3FD9]  }
0x89: {  	s3 =	sld [smem:$0x3FFE];
	_ =	sdelay $0x1  }
0x8a: {  	s1 =	srdreg.scid  }
0x8b: {  	s0 =	sand.u32 $0x1, s1  }
0x8c: {  	s17 =	sshll.u32 s0, $0xA;
	s2 =	sadd.s32 s3, s2  }
0x8d: {  	s2 =	sadd.s32 s2, s17  }
0x8e: {  	[smem:$0x3FC5] =	sst s2  }
0x8f: {  	_ = 	snop  }
0x90: {  	s2 =	sld [smem:$0x3FC8]  }
0x91: {  	s18 =	sld [smem:$0x3FC7]  }
0x92: {  	s4 =	sld [smem:$0x3FD0];
	(tm) =	ssettm $0x1  }
0x93: {  	s5 =	sld [smem:$0x3FFB];
	_ =	sdelay $0x3  }
0x94: {  	_ =	strace s5  }
0x95: {  	s5 =	sld [smem:$0x3FFC];
	_ =	sdelay $0x3  }
0x96: {  	_ =	strace s5  }
0x97: {  	s5 =	sld [smem:$0x3FFD];
	_ =	sdelay $0x3  }
0x98: {  	_ =	strace s5  }
0x99: {  	_ =	strace $0x8FFFFFFF  }
0x9a: {  	s19 =	sld [smem:$0x3FDB];
	_ =	sdelay $0x1  }
0x9b: {  	s6 =	simm.s32 $_scs_section_size  }
0x9c: {  	s7 =	simm.s32 $_size__tile_overlayer_lowered;
	s8 =	simm.s32 $_tile_overlayer_lowered  }
0x9d: {  	s22 =	simm.s32 $0x1BFF;
	s21 =	sshll.u32 s8, $0x1;
	s5 =	sadd.s32 s6, s19  }
0x9e: {  	s9 =	simm.s32 $0x0;
	s20 =	sshll.u32 s7, $0x1;
	s7 =	sadd.s32 s21, s5  }
0x9f: {  	[timem:s9], [sflag:s22] =	dma.local [hbm:s7], s20  }
0xa0: {  	_ =	swait.ge [sflag:s22], s20  }
0xa1: {  	s6 =	ssub.s32 $0x0, s20;
	[sflag:s22] =	ssyncset.done $0x0  }
0xa2: {  	[sflag:s22] =	ssyncadd.s32 s6;
	_ =	sdelay $0x1  }
0xa3: {  	s23 =	simm.s32 $0x1B8B  }
0xa4: {  	_ =	swait.ge [sflag:s23], $0x1  }
0xa5: {  	[sflag:s23] =	ssyncset.done $0x0  }
0xa6: {  	s25 =	simm.s32 $0x1B8E;
	s24 =	sld [smem:$0x3FFE];
	[sflag:s23] =	ssyncadd.s32 $0xFFFFFFFF  }
0xa7: {  	s26 =	simm.s32 $execute0_lowered;
	[smem:$0x3FD2] =	sst s25  }
0xa8: {  	s7 =	sshll.u32 s26, $0x1;
	_ =	strace $0x80000046;
	[dreg:$0x1] =	wrdreg $0xFFFFFFFF  }
0xa9: {  	s28 =	simm.s32 $_size_execute0_lowered;
	s5 =	sadd.s32 s5, s7;
	[dreg:$0x0] =	wrdreg $0x0  }
0xaa: {  	s7 =	sshll.u32 s28, $0x1;
	[dreg:$0x2] =	wrdreg s5  }
0xab: {  	[dreg:$0x3] =	wrdreg s7  }
0xac: {  	[dreg:$0x4] =	wrdreg $0xC0  }
0xad: {  	_ =	task [dreg:s9], $0x5FFFF  }
0xae: {  	[dreg:$0x1] =	wrdreg $0xFFFFFFFF  }
0xaf: {  	[dreg:$0x0] =	wrdreg $0x60  }
0xb0: {  	[dreg:$0x2] =	wrdreg s24  }
0xb1: {  	[dreg:$0x3] =	wrdreg s2  }
0xb2: {  	[dreg:$0x4] =	wrdreg s18  }
0xb3: {  	[dreg:$0x5] =	wrdreg s4  }
0xb4: {  	[dreg:$0x6] =	wrdreg $0x9  }
0xb5: {  	_ =	task.clear_ibuf [dreg:s9], $0x7FFFF;
	_ =	strace $0x90000046  }
0xb6: {  	s29 =	simm.s32 $0x9;
	_ =	strace $0x80000048  }
0xb7: {  	_ =	swait.ge [sflag:s29], $0x1  }
0xb8: {  	[sflag:s29] =	ssyncadd.s32 $0xFFFFFFFF  }
0xb9: {  	_ =	strace $0x90000048  }
0xba: {  	_ =	sfence  }
0xbb: {  	s30 =	sld [smem:$0x0];
	_ =	sdelay $0x2  }
0xbc: {  	s31 =	sshll.u32 s1, $0xD;
	s1 =	sshrl.u32 s1, $0x2  }
0xbd: {  	s3 =	sand.u32 $0x4000, s31;
	s1 =	sadd.s32 s1, s30  }
0xbe: {  	s0 =	sor.u32 s3, s0;
	s1 =	sshll.u32 s1, $0x11  }
0xbf: {  	s0 =	sor.u32 s1, s0  }
0xc0: {  	s0 =	sadd.s32 $0x8F2B, s0  }
0xc1: {  	[sflag:s0] =	ssyncadd.remote.s32 $0x1  }
0xc2: {  	_ =	sfence.sel $0xFFFF  }
0xc3: {  	[dreg:$0x0] =	wrdreg $0xFFFFFFFF;
	(pc) =	sbr.abs _section_cstart, $3  }
0xc4: {  	[dreg:$0x1] =	wrdreg $0xFFFFFFFF  }
0xc5: {  	_ =	task.clear_ibuf [dreg:s9], $0x2FFFF;
	_ =	strace $0x9FFFFFFF  }
0xc6: {  	(tm) =	ssettm $0x7FFFFFFF  }
0xc7: {  	_ =	shalt  }
tec
execute0_lowered:
.L_overlay_start_1:
0x0: {  	(tag) =	ssettag $0x1  }
0x1: {  	s4 =	rddreg [dreg:$0x0]  }
0x2: {  	s5 =	rddreg [dreg:$0x1]  }
0x3: {  	s6 =	rddreg [dreg:$0x3]  }
0x4: {  	s3 =	simm.s32 $0x0;
	s7 =	srdreg.scid;
	s0 =	stileid.u32  }
0x5: {  	s11 =	simm.s32 $0x280;
	s12 =	simm.s32 $0x10280;
	s13 =	simm.s32 $0x0  }
0x6: {  	[smem:$0x7FF] =	sst s3;
	s7 =	sand.u32 $0x1, s7;
	s9 =	sshll.u32 s0, $0xA  }
0x7: {  	s4 =	sadd.s32 $0x400, s4;
	s8 =	ssub.s32 $0x2, s7;
	s7 =	sshll.u32 s7, $0x9  }
0x8: {  	_ =	strace $0x80000047;
	s10 =	sshrl.u32 s8, $0x1;
	s7 =	sor.u32 s7, s9  }
0x9: {  	s8 =	ssub.s32 s8, s10;
	s9 =	sshrl.u32 s7, $0x3;
	s7 =	sshll.u32 s7, $0x2  }
0xa: {  	s10 =	simm.s32 $0x1;
	s5 =	sadd.s32 s5, s9;
	s6 =	sadd.s32 s6, s7  }
0xb: {  	s7 =	smax.u32 s8, $0x1;
	s8 =	simm.s32 $0x2;
	s9 =	simm.s32 $0x200  }
.LBB2_1:
0xc: {  	[tilespmem:s3], [sflag:$0x2] =	stream.linear.gather [hbm4b:s5+s3], $0x200, $0x38;
	[tilespmem:$0x14280] =	vst v63  }
0xd: {  	_ =	swait.ge [sflag:s8], $0x200  }
0xe: {  	[sflag:s8] =	ssyncset.done $0x0  }
0xf: {  	[sflag:s8] =	ssyncadd.s32 $0xFFFFFE00  }
0x10: {  	s0 =	rddreg [dreg:$0x2]  }
0x11: {  	[tilespmem:s9], [sflag:$0x2] =	stream.linear.gather [hbm4b:s0+s3], $0x80, $0x38;
	[tilespmem:$0x14280] =	vst v63  }
0x12: {  	_ =	swait.ge [sflag:s8], $0x80  }
0x13: {  	[sflag:s8] =	ssyncset.done $0x0  }
0x14: {  	[sflag:s8] =	ssyncadd.s32 $0xFFFFFF80  }
0x15: {  	v0 =	vld [tilespmem:s3+$0x0];
	_ =	sdelay $0x4  }
0x16: {  	v0 =	vshll.u32 v0, $0x4  }
0x17: {  	(v2sf) =	vpush v0, $0x0  }
0x18: {  	(v2sf) =	vpush v0, $0x1  }
0x19: {  	(v2sf) =	vpush v0, $0x2;
	_ =	sdelay $0x1  }
0x1a: {  	(v2sf) =	vpush v0, $0x4;
	_ =	sdelay $0x1  }
0x1b: {  	(v2sf) =	vpush v0, $0x3  }
0x1c: {  	(v2sf) =	vpush v0, $0x5  }
0x1d: {  	s15 =	simm.s32 $0x2000;
	s14 =	simm.s32 $0x0;
	s16 =	simm.s32 $0x0;
	(v2sf) =	vpush v0, $0x6  }
.LBB2_2:
0x1e: {  	p0 =	sne.s32 s15, $0x3E000  }
0x1f: {  	s26 =	sadd.s32 $0x300, s14;
	s20 =	sadd.s32 $0x800, s14;
	s17 =	smov.u32 s15  }
0x20: {  	s15 =	sadd.s32 $0x2000, s15;
	s23 =	sadd.s32 $0x600, s14;
	s18 =	sadd.s32 $0x880, s14;
	(v2sf) =	vpush v0, $0x7  }
0x21: {  	s25 =	sadd.s32 $0x500, s14;
	s22 =	sadd.s32 $0x680, s14;
	s19 =	sadd.s32 $0x900, s14  }
0x22: {  	s28 =	sadd.s32 $0x280, s14;
	s29 =	sadd.s32 $0x480, s14;
	(v2sf) =	vpush v0, $0x8  }
0x23: {  	s30 =	sadd.s32 $0x580, s14;
	s16 =	sadd.s32 $0x10, s16  }
0x24: {  	s31 =	sadd.s32 $0x380, s14;
	s21 =	sadd.s32 $0x780, s14;
	s24 =	spop (v2sf);
	(v2sf) =	vpush v0, $0x9  }
0x25: {  	s0 =	sand.u32 $0x1FFFFFF0, s24;
	s24 =	sadd.s32 $0x700, s14;
	s2 =	spop (v2sf)  }
0x26: {  	s0 =	sadd.s32 s4, s0;
	s2 =	sand.u32 $0x1FFFFFF0, s2;
	s1 =	spop (v2sf);
	(v2sf) =	vpush v0, $0xA  }
0x27: {  	[tilespmem:s28], [sflag:$0x1] =	stream.linear.gather [hbm4b:s0+s3], $0x80, $0x38;
	[tilespmem:$0x14280] =	vst v63  }
0x28: {  	s0 =	sadd.s32 s4, s2;
	s2 =	sadd.s32 $0x400, s14;
	s28 =	spop (v2sf);
	(v2sf) =	vpush v0, $0xB  }
0x29: {  	[tilespmem:s26], [sflag:$0x1] =	stream.linear.gather [hbm4b:s0+s3], $0x80, $0x38;
	[tilespmem:$0x14280] =	vst v63  }
0x2a: {  	s0 =	sand.u32 $0x1FFFFFF0, s1;
	s1 =	sand.u32 $0x1FFFFFF0, s28;
	s26 =	spop (v2sf);
	(v2sf) =	vpush v0, $0xC  }
0x2b: {  	s0 =	sadd.s32 s4, s0;
	s26 =	sand.u32 $0x1FFFFFF0, s26;
	s28 =	spop (v2sf)  }
0x2c: {  	[tilespmem:s31], [sflag:$0x1] =	stream.linear.gather [hbm4b:s0+s3], $0x80, $0x38;
	(v2sf) =	vpush v0, $0xD;
	[tilespmem:$0x14280] =	vst v63  }
0x2d: {  	s0 =	sadd.s32 s4, s26;
	s26 =	sand.u32 $0x1FFFFFF0, s28;
	s28 =	spop (v2sf)  }
0x2e: {  	[tilespmem:s2], [sflag:$0x1] =	stream.linear.gather [hbm4b:s0+s3], $0x80, $0x38;
	(v2sf) =	vpush v0, $0xE;
	[tilespmem:$0x14280] =	vst v63  }
0x2f: {  	s0 =	sadd.s32 s4, s1;
	s1 =	sand.u32 $0x1FFFFFF0, s28;
	s2 =	spop (v2sf)  }
0x30: {  	[tilespmem:s29], [sflag:$0x1] =	stream.linear.gather [hbm4b:s0+s3], $0x80, $0x38;
	(v2sf) =	vpush v0, $0xF;
	[tilespmem:$0x14280] =	vst v63  }
0x31: {  	s0 =	sadd.s32 s4, s26;
	s2 =	sand.u32 $0x1FFFFFF0, s2;
	s26 =	spop (v2sf)  }
0x32: {  	[tilespmem:s25], [sflag:$0x1] =	stream.linear.gather [hbm4b:s0+s3], $0x80, $0x38;
	[tilespmem:$0x14280] =	vst v63  }
0x33: {  	s0 =	sadd.s32 s4, s1;
	s1 =	sand.u32 $0x1FFFFFF0, s26;
	s25 =	spop (v2sf)  }
0x34: {  	[tilespmem:s30], [sflag:$0x1] =	stream.linear.gather [hbm4b:s0+s3], $0x80, $0x38;
	[tilespmem:$0x14280] =	vst v63  }
0x35: {  	s0 =	sadd.s32 s4, s2;
	s2 =	sand.u32 $0x1FFFFFF0, s25;
	s25 =	spop (v2sf)  }
0x36: {  	[tilespmem:s23], [sflag:$0x1] =	stream.linear.gather [hbm4b:s0+s3], $0x80, $0x38;
	[tilespmem:$0x14280] =	vst v63  }
0x37: {  	s0 =	sadd.s32 s4, s1;
	s1 =	sand.u32 $0x1FFFFFF0, s25;
	s23 =	spop (v2sf)  }
0x38: {  	[tilespmem:s22], [sflag:$0x1] =	stream.linear.gather [hbm4b:s0+s3], $0x80, $0x38;
	[tilespmem:$0x14280] =	vst v63  }
0x39: {  	s0 =	sadd.s32 s4, s2;
	s2 =	sand.u32 $0x1FFFFFF0, s23;
	s22 =	spop (v2sf)  }
0x3a: {  	[tilespmem:s24], [sflag:$0x1] =	stream.linear.gather [hbm4b:s0+s3], $0x80, $0x38;
	[tilespmem:$0x14280] =	vst v63  }
0x3b: {  	s0 =	sadd.s32 s4, s1;
	s1 =	sand.u32 $0x1FFFFFF0, s22;
	s22 =	spop (v2sf)  }
0x3c: {  	[tilespmem:s21], [sflag:$0x1] =	stream.linear.gather [hbm4b:s0+s3], $0x80, $0x38;
	[tilespmem:$0x14280] =	vst v63  }
0x3d: {  	s0 =	sadd.s32 s4, s2;
	s2 =	sand.u32 $0x1FFFFFF0, s22;
	s21 =	spop (v2sf)  }
0x3e: {  	[tilespmem:s20], [sflag:$0x1] =	stream.linear.gather [hbm4b:s0+s3], $0x80, $0x38;
	[tilespmem:$0x14280] =	vst v63  }
0x3f: {  	s0 =	sadd.s32 s4, s1;
	s1 =	sand.u32 $0x1FFFFFF0, s21;
	s20 =	spop (v2sf)  }
0x40: {  	[tilespmem:s18], [sflag:$0x1] =	stream.linear.gather [hbm4b:s0+s3], $0x80, $0x38;
	[tilespmem:$0x14280] =	vst v63  }
0x41: {  	s0 =	sadd.s32 s4, s2;
	s2 =	sand.u32 $0x1FFFFFF0, s20  }
0x42: {  	[tilespmem:s19], [sflag:$0x1] =	stream.linear.gather [hbm4b:s0+s3], $0x80, $0x38;
	[tilespmem:$0x14280] =	vst v63  }
0x43: {  	s1 =	sadd.s32 s4, s1;
	s0 =	sadd.s32 $0x980, s14  }
0x44: {  	[tilespmem:s0], [sflag:$0x1] =	stream.linear.gather [hbm4b:s1+s3], $0x80, $0x38;
	[tilespmem:$0x14280] =	vst v63  }
0x45: {  	s0 =	sadd.s32 $0xA00, s14;
	s1 =	sadd.s32 s4, s2  }
0x46: {  	[tilespmem:s0], [sflag:$0x1] =	stream.linear.gather [hbm4b:s1+s3], $0x80, $0x38;
	[tilespmem:$0x14280] =	vst v63  }
0x47: {  	v0 =	vld [tilespmem:s16+$0x0];
	_ =	sdelay $0x4  }
0x48: {  	v0 =	vshll.u32 v0, $0x4  }
0x49: {  	(v2sf) =	vpush v0, $0x0  }
0x4a: {  	(v2sf) =	vpush v0, $0x1  }
0x4b: {  	(v2sf) =	vpush v0, $0x2;
	_ =	sdelay $0x1  }
0x4c: {  	(v2sf) =	vpush v0, $0x4  }
.Ltmp0:
0x4d: {  	(pc) =	sbr.rel @p0 .LBB2_2-.Ltmp0, $3  }
0x4e: {  	(v2sf) =	vpush v0, $0x3  }
0x4f: {  	(v2sf) =	vpush v0, $0x5;
	_ =	sdelay $0x1  }
0x50: {  	s14 =	sshra.s32 s17, $0x2;
	(v2sf) =	vpush v0, $0x6  }
0x51: {  	_ =	sdelay $0x1  }
0x52: {  	s0 =	sadd.s32 $0x300, s14;
	s17 =	sadd.s32 $0x800, s14  }
0x53: {  	s1 =	sadd.s32 $0x600, s14;
	s15 =	sadd.s32 $0x880, s14;
	(v2sf) =	vpush v0, $0x7;
	s2 =	sadd.s32 $0x500, s14  }
0x54: {  	s18 =	sadd.s32 $0x680, s14;
	s16 =	sadd.s32 $0x900, s14;
	s19 =	sadd.s32 $0x280, s14  }
0x55: {  	s20 =	sadd.s32 $0x480, s14;
	s21 =	sadd.s32 $0x580, s14;
	(v2sf) =	vpush v0, $0x8;
	s22 =	spop (v2sf)  }
0x56: {  	s23 =	sadd.s32 $0x380, s14;
	s22 =	sand.u32 $0x1FFFFFF0, s22;
	s24 =	spop (v2sf)  }
0x57: {  	(v2sf) =	vpush v0, $0x9;
	s22 =	sadd.s32 s4, s22;
	s24 =	sand.u32 $0x1FFFFFF0, s24;
	s25 =	spop (v2sf)  }
0x58: {  	[tilespmem:s19], [sflag:$0x1] =	stream.linear.gather [hbm4b:s22+s3], $0x80, $0x38;
	[tilespmem:$0x14280] =	vst v63  }
0x59: {  	s26 =	sadd.s32 $0x400, s14;
	(v2sf) =	vpush v0, $0xA;
	s30 =	sadd.s32 s4, s24;
	s31 =	spop (v2sf)  }
0x5a: {  	[tilespmem:s0], [sflag:$0x1] =	stream.linear.gather [hbm4b:s30+s3], $0x80, $0x38;
	[tilespmem:$0x14280] =	vst v63  }
0x5b: {  	s19 =	sadd.s32 $0x780, s14;
	s28 =	sand.u32 $0x1FFFFFF0, s25;
	(v2sf) =	vpush v0, $0xB;
	s29 =	spop (v2sf)  }
0x5c: {  	s22 =	sadd.s32 s4, s28;
	s0 =	sadd.s32 $0x700, s14;
	s25 =	sand.u32 $0x1FFFFFF0, s29  }
0x5d: {  	(v2sf) =	vpush v0, $0xC;
	[tilespmem:s23], [sflag:$0x1] =	stream.linear.gather [hbm4b:s22+s3], $0x80, $0x38;
	[tilespmem:$0x14280] =	vst v63  }
0x5e: {  	s30 =	sand.u32 $0x1FFFFFF0, s31;
	s31 =	spop (v2sf);
	s28 =	sadd.s32 s4, s25  }
0x5f: {  	(v2sf) =	vpush v0, $0xD;
	[tilespmem:s26], [sflag:$0x1] =	stream.linear.gather [hbm4b:s28+s3], $0x80, $0x38;
	[tilespmem:$0x14280] =	vst v63  }
0x60: {  	s22 =	sadd.s32 s4, s30;
	s23 =	sand.u32 $0x1FFFFFF0, s31;
	s29 =	spop (v2sf)  }
0x61: {  	(v2sf) =	vpush v0, $0xE;
	[tilespmem:s20], [sflag:$0x1] =	stream.linear.gather [hbm4b:s22+s3], $0x80, $0x38;
	[tilespmem:$0x14280] =	vst v63  }
0x62: {  	s23 =	sadd.s32 s4, s23;
	s30 =	sand.u32 $0x1FFFFFF0, s29;
	s31 =	spop (v2sf)  }
0x63: {  	(v2sf) =	vpush v0, $0xF;
	[tilespmem:s2], [sflag:$0x1] =	stream.linear.gather [hbm4b:s23+s3], $0x80, $0x38;
	[tilespmem:$0x14280] =	vst v63  }
0x64: {  	s24 =	spop (v2sf);
	s20 =	sadd.s32 s4, s30;
	s23 =	sand.u32 $0x1FFFFFF0, s31  }
0x65: {  	[tilespmem:s21], [sflag:$0x1] =	stream.linear.gather [hbm4b:s20+s3], $0x80, $0x38;
	[tilespmem:$0x14280] =	vst v63  }
0x66: {  	s25 =	sand.u32 $0x1FFFFFF0, s24;
	s2 =	sadd.s32 s4, s23;
	s26 =	spop (v2sf)  }
0x67: {  	[tilespmem:s1], [sflag:$0x1] =	stream.linear.gather [hbm4b:s2+s3], $0x80, $0x38;
	[tilespmem:$0x14280] =	vst v63  }
0x68: {  	s20 =	sadd.s32 s4, s25;
	s28 =	sand.u32 $0x1FFFFFF0, s26;
	s29 =	spop (v2sf)  }
0x69: {  	[tilespmem:s18], [sflag:$0x1] =	stream.linear.gather [hbm4b:s20+s3], $0x80, $0x38;
	[tilespmem:$0x14280] =	vst v63  }
0x6a: {  	s2 =	sand.u32 $0x1FFFFFF0, s29;
	s1 =	sadd.s32 s4, s28;
	s30 =	spop (v2sf)  }
0x6b: {  	[tilespmem:s0], [sflag:$0x1] =	stream.linear.gather [hbm4b:s1+s3], $0x80, $0x38;
	[tilespmem:$0x14280] =	vst v63  }
0x6c: {  	s2 =	sadd.s32 s4, s2;
	s31 =	sand.u32 $0x1FFFFFF0, s30;
	s18 =	spop (v2sf)  }
0x6d: {  	[tilespmem:s19], [sflag:$0x1] =	stream.linear.gather [hbm4b:s2+s3], $0x80, $0x38;
	[tilespmem:$0x14280] =	vst v63  }
0x6e: {  	s0 =	sadd.s32 s4, s31;
	s1 =	sand.u32 $0x1FFFFFF0, s18;
	s19 =	spop (v2sf)  }
0x6f: {  	[tilespmem:s17], [sflag:$0x1] =	stream.linear.gather [hbm4b:s0+s3], $0x80, $0x38;
	[tilespmem:$0x14280] =	vst v63  }
0x70: {  	s1 =	sadd.s32 s4, s1;
	s20 =	sand.u32 $0x1FFFFFF0, s19;
	s21 =	spop (v2sf)  }
0x71: {  	[tilespmem:s15], [sflag:$0x1] =	stream.linear.gather [hbm4b:s1+s3], $0x80, $0x38;
	[tilespmem:$0x14280] =	vst v63  }
0x72: {  	s22 =	sand.u32 $0x1FFFFFF0, s21;
	s23 =	spop (v2sf);
	s0 =	sadd.s32 s4, s20  }
0x73: {  	[tilespmem:s16], [sflag:$0x1] =	stream.linear.gather [hbm4b:s0+s3], $0x80, $0x38;
	[tilespmem:$0x14280] =	vst v63  }
0x74: {  	s25 =	sadd.s32 $0x980, s14;
	s24 =	sand.u32 $0x1FFFFFF0, s23;
	s1 =	sadd.s32 s4, s22  }
0x75: {  	[tilespmem:s25], [sflag:$0x1] =	stream.linear.gather [hbm4b:s1+s3], $0x80, $0x38;
	[tilespmem:$0x14280] =	vst v63  }
0x76: {  	s26 =	sadd.s32 $0xA00, s14;
	s0 =	sadd.s32 s4, s24  }
0x77: {  	[tilespmem:s26], [sflag:$0x1] =	stream.linear.gather [hbm4b:s0+s3], $0x80, $0x38;
	[tilespmem:$0x14280] =	vst v63  }
0x78: {  	_ =	swait.ge [sflag:s10], $0x10000  }
0x79: {  	[sflag:s10] =	ssyncset.done $0x0  }
0x7a: {  	[sflag:s10] =	ssyncadd.s32 $0xFFFF0000  }
0x7b: {  	v0 =	vld [tilespmem:$0x200];
	_ =	sdelay $0x3  }
0x7c: {  	s28 =	simm.s32 $0x0  }
0x7d: {  	v2 =	vadd.s32 s28, v0  }
0x7e: {  	v1 =	vld [tilespmem:$0x210];
	_ =	sdelay $0x3  }
0x7f: {  	v2 =	vld.idx.msk [tilespmem:v2+s11+$0x0], $0xffff  }
0x80: {  	v3 =	vadd.s32 s28, v1;
	_ =	sdelay $0x2  }
0x81: {  	s14 =	simm.s32 $0x102C0  }
0x82: {  	[tilespmem:s14+$0xFFFFFFC0] =	vst v2  }
0x83: {  	s29 =	simm.s32 $0x80;
	v2 =	vld.idx.msk [tilespmem:v3+s11+$0x0], $0xffff  }
0x84: {  	v3 =	vadd.s32 s29, v0;
	_ =	sdelay $0x3  }
0x85: {  	[tilespmem:s14+$0xFFFFFFD0] =	vst v2  }
0x86: {  	v2 =	vld.idx.msk [tilespmem:v3+s11+$0x0], $0xffff  }
0x87: {  	v3 =	vadd.s32 s29, v1;
	_ =	sdelay $0x3  }
0x88: {  	[tilespmem:s14+$0xFFFFFFE0] =	vst v2  }
0x89: {  	s30 =	simm.s32 $0x100;
	v2 =	vld.idx.msk [tilespmem:v3+s11+$0x0], $0xffff  }
0x8a: {  	v3 =	vadd.s32 s30, v0;
	_ =	sdelay $0x3  }
0x8b: {  	[tilespmem:s14+$0xFFFFFFF0] =	vst v2  }
0x8c: {  	v2 =	vld.idx.msk [tilespmem:v3+s11+$0x0], $0xffff  }
0x8d: {  	v3 =	vadd.s32 s30, v1;
	_ =	sdelay $0x3  }
0x8e: {  	[tilespmem:s14+$0x0] =	vst v2  }
0x8f: {  	s31 =	simm.s32 $0x180;
	v2 =	vld.idx.msk [tilespmem:v3+s11+$0x0], $0xffff  }
0x90: {  	v3 =	vadd.s32 s31, v0;
	_ =	sdelay $0x3  }
0x91: {  	[tilespmem:s14+$0x10] =	vst v2  }
0x92: {  	v2 =	vld.idx.msk [tilespmem:v3+s11+$0x0], $0xffff  }
0x93: {  	v3 =	vadd.s32 s31, v1;
	_ =	sdelay $0x3  }
0x94: {  	[tilespmem:s14+$0x20] =	vst v2  }
0x95: {  	s15 =	simm.s32 $0x200;
	s16 =	simm.s32 $0x8;
	v2 =	vld.idx.msk [tilespmem:v3+s11+$0x0], $0xffff  }
.LBB2_4:
0x96: {  	p0 =	slt.u32 s16, $0x1FC;
	v3 =	vadd.s32 s15, v0;
	_ =	sdelay $0x3  }
0x97: {  	[tilespmem:s14+$0x30] =	vst v2  }
0x98: {  	v2 =	vld.idx.msk [tilespmem:v3+s11+$0x0], $0xffff;
	_ =	sdelay $0x1  }
0x99: {  	v3 =	vadd.s32 s15, v1;
	_ =	sdelay $0x2  }
0x9a: {  	s14 =	sadd.s32 $0x80, s14  }
0x9b: {  	[tilespmem:s14+$0xFFFFFFC0] =	vst v2  }
0x9c: {  	v2 =	vld.idx.msk [tilespmem:v3+s11+$0x0], $0xffff  }
0x9d: {  	s0 =	sadd.s32 $0x80, s15  }
0x9e: {  	v3 =	vadd.s32 s0, v0;
	_ =	sdelay $0x3  }
0x9f: {  	[tilespmem:s14+$0xFFFFFFD0] =	vst v2  }
0xa0: {  	v2 =	vld.idx.msk [tilespmem:v3+s11+$0x0], $0xffff;
	_ =	sdelay $0x1  }
0xa1: {  	v3 =	vadd.s32 s0, v1;
	_ =	sdelay $0x3  }
0xa2: {  	[tilespmem:s14+$0xFFFFFFE0] =	vst v2  }
0xa3: {  	v2 =	vld.idx.msk [tilespmem:v3+s11+$0x0], $0xffff  }
0xa4: {  	s0 =	sadd.s32 $0x100, s15  }
0xa5: {  	v3 =	vadd.s32 s0, v0;
	_ =	sdelay $0x3  }
0xa6: {  	[tilespmem:s14+$0xFFFFFFF0] =	vst v2  }
0xa7: {  	v2 =	vld.idx.msk [tilespmem:v3+s11+$0x0], $0xffff;
	_ =	sdelay $0x1  }
0xa8: {  	v3 =	vadd.s32 s0, v1;
	_ =	sdelay $0x3  }
0xa9: {  	[tilespmem:s14+$0x0] =	vst v2  }
0xaa: {  	v2 =	vld.idx.msk [tilespmem:v3+s11+$0x0], $0xffff  }
0xab: {  	s0 =	sadd.s32 $0x180, s15  }
0xac: {  	v3 =	vadd.s32 s0, v0;
	_ =	sdelay $0x3  }
0xad: {  	[tilespmem:s14+$0x10] =	vst v2  }
0xae: {  	v2 =	vld.idx.msk [tilespmem:v3+s11+$0x0], $0xffff;
	_ =	sdelay $0x1  }
0xaf: {  	v3 =	vadd.s32 s0, v1;
	_ =	sdelay $0x1  }
.Ltmp1:
0xb0: {  	(pc) =	sbr.rel @p0 .LBB2_4-.Ltmp1, $4  }
0xb1: {  	_ = 	snop  }
0xb2: {  	[tilespmem:s14+$0x20] =	vst v2  }
0xb3: {  	v2 =	vld.idx.msk [tilespmem:v3+s11+$0x0], $0xffff  }
0xb4: {  	s15 =	sshll.u32 s16, $0x7;
	s16 =	sadd.s32 $0x4, s16  }
0xb5: {  	v3 =	vadd.s32 s15, v0;
	_ =	sdelay $0x3  }
0xb6: {  	[tilespmem:s14+$0x30] =	vst v2  }
0xb7: {  	v2 =	vld.idx.msk [tilespmem:v3+s11+$0x0], $0xffff  }
0xb8: {  	v57 =	vadd.s32 s15, v1;
	_ =	sdelay $0x2  }
0xb9: {  	s0 =	sadd.s32 $0x80, s14  }
0xba: {  	[tilespmem:s0+$0xFFFFFFC0] =	vst v2  }
0xbb: {  	s1 =	sadd.s32 $0x80, s15;
	v2 =	vld.idx.msk [tilespmem:v57+s11+$0x0], $0xffff  }
0xbc: {  	v58 =	vadd.s32 s1, v0;
	_ =	sdelay $0x3  }
0xbd: {  	[tilespmem:s0+$0xFFFFFFD0] =	vst v2  }
0xbe: {  	v2 =	vld.idx.msk [tilespmem:v58+s11+$0x0], $0xffff  }
0xbf: {  	v59 =	vadd.s32 s1, v1;
	_ =	sdelay $0x3  }
0xc0: {  	[tilespmem:s0+$0xFFFFFFE0] =	vst v2  }
0xc1: {  	s30 =	sadd.s32 $0x100, s15;
	v2 =	vld.idx.msk [tilespmem:v59+s11+$0x0], $0xffff  }
0xc2: {  	v60 =	vadd.s32 s30, v0;
	_ =	sdelay $0x3  }
0xc3: {  	[tilespmem:s0+$0xFFFFFFF0] =	vst v2  }
0xc4: {  	v2 =	vld.idx.msk [tilespmem:v60+s11+$0x0], $0xffff  }
0xc5: {  	v61 =	vadd.s32 s30, v1;
	_ =	sdelay $0x3  }
0xc6: {  	[tilespmem:s0+$0x0] =	vst v2  }
0xc7: {  	s31 =	sadd.s32 $0x180, s15;
	v2 =	vld.idx.msk [tilespmem:v61+s11+$0x0], $0xffff  }
0xc8: {  	v62 =	vadd.s32 s31, v0;
	_ =	sdelay $0x3  }
0xc9: {  	[tilespmem:s0+$0x10] =	vst v2  }
0xca: {  	v0 =	vld.idx.msk [tilespmem:v62+s11+$0x0], $0xffff  }
0xcb: {  	v63 =	vadd.s32 s31, v1;
	_ =	sdelay $0x3  }
0xcc: {  	[tilespmem:s0+$0x20] =	vst v0  }
0xcd: {  	v0 =	vld.idx.msk [tilespmem:v63+s11+$0x0], $0xffff;
	_ =	sdelay $0x2  }
0xce: {  	s13 =	sadd.s32 $0x1, s13  }
0xcf: {  	p0 =	sne.s32 s13, s7  }
.Ltmp2:
0xd0: {  	[tilespmem:s0+$0x30] =	vst v0;
	(pc) =	sbr.rel @p0 .LBB2_1-.Ltmp2, $4  }
0xd1: {  	[hbm4b:s6+s3] =	stream.linear.scatter [tilespmem:s12], [sflag:$0x2], $0x4000, $0x38;
	[tilespmem:$0x14280] =	vst v63  }
0xd2: {  	_ =	swait.ge [sflag:s8], $0x4000  }
0xd3: {  	[sflag:s8] =	ssyncset.done $0x0  }
0xd4: {  	[sflag:s8] =	ssyncadd.s32 $0xFFFFC000  }
0xd5: {  	_ =	sfence.sel $0x180000  }
0xd6: {  	[bflag:$0x0] =	sbarrier.arrive $0xFFFF  }
0xd7: {  	_ =	strace $0x90000047  }
0xd8: {  	s0 =	stileid.u32;
	[bflag:$0x2] =	sbarrier.arrive $0xFFFF  }
0xd9: {  	p0 =	sne.s32 s0, $0x0;
	s0 =	rddreg [dreg:$0x4]  }
0xda: {  	s0 =	sadd.s32 @!p0 $0x100000, s0  }
0xdb: {  	[sflag:s0] =	ssyncadd.tile.s32 @!p0 $0x1;
	_ =	shalt  }
.Lfunc_end2:
_tile_overlayer_lowered:
.L_overlay_start_2:
0xdc: {  	(tag) =	ssettag $0x2  }
0xdd: {  	s0 =	rddreg [dreg:$0x0];
	s2 =	stileid.u32  }
0xde: {  	s1 =	rddreg [dreg:$0x1];
	p0 =	sne.s32 s2, $0x0  }
0xdf: {  	s3 =	rddreg [dreg:$0x2];
	[bflag:$0x3] =	sbarrier.arrive $0xFFFF;
	s2 =	simm.s32 @!p0 $0x1C02  }
0xe0: {  	[timem:s3], [sflag:s2] =	dma.local @!p0 [hbm:s0], s1  }
0xe1: {  	s0 =	simm.s32 @!p0 $0x2  }
0xe2: {  	_ =	swait.ge @!p0 [sflag:s0], s1  }
0xe3: {  	s1 =	ssub.s32 @!p0 $0x0, s1;
	[sflag:s0] =	ssyncset.done @!p0 $0x0  }
0xe4: {  	[sflag:s0] =	ssyncadd.s32 @!p0 s1  }
0xe5: {  	[bflag:$0x3] =	sbarrier.arrive $0xFFFF  }
0xe6: {  	_ =	shalt  }

</sc_bundles>
